<compile_context>
chip_gen: v7x
topology: tpu7x:2x2x1
jax: 0.10.2.dev20260603
libtpu: 0.0.44.dev20260713+nightly
codegen_flags: <defaults>
</compile_context>

<pallas_src>
import functools

import jax
import jax.numpy as jnp
from jax import lax
from jax.experimental import pallas as pl
from jax.experimental.pallas import tpu as pltpu
from jax.experimental.pallas import tpu_sc as plsc

VOCAB = 1000000
EMBED_DIM = 32
BATCH = 4096
SEQ = 200

NUM_CORES = 2
NUM_SUBCORES = 16
NUM_WORKERS = NUM_CORES * NUM_SUBCORES

N = BATCH * SEQ
CHUNK = 512
JOBS_PER_SEQ = BATCH // CHUNK
NUM_JOBS = SEQ * JOBS_PER_SEQ
JOBS_PER_W = NUM_JOBS // NUM_WORKERS
PAIRS = JOBS_PER_W // 2
LANE_TILES = CHUNK // 128
SUB_TILES = EMBED_DIM // 8
T5 = CHUNK * EMBED_DIM
RUN = T5 // SUB_TILES


def _body(idx_hbm, table_hbm, out_hbm,
          idx_all, rows0, rows1, t50, t51, gsem0, gsem1, ssem0, ssem1):
    wid = lax.axis_index("s") * NUM_CORES + lax.axis_index("c")
    job_base = wid * JOBS_PER_W
    iota16 = lax.iota(jnp.int32, 16)
    p0 = (iota16 // 8) * 4096 + (iota16 % 8) * 128
    p1 = p0 + 2 * 4096

    pltpu.sync_copy(idx_hbm.at[pl.ds(wid * JOBS_PER_W, JOBS_PER_W)], idx_all)

    def store_job(t5f, job_id, sem):
        s = job_id // JOBS_PER_SEQ
        c0 = (job_id % JOBS_PER_SEQ) * LANE_TILES * 1024
        for i in range(SUB_TILES):
            pltpu.async_copy(t5f.at[pl.ds(i * RUN, RUN)],
                             out_hbm.at[s, i, pl.ds(c0, RUN)], sem)

    def drain_store(t5f, sem):
        for i in range(SUB_TILES):
            pltpu.make_async_copy(t5f.at[pl.ds(i * RUN, RUN)],
                                  out_hbm.at[0, i, pl.ds(0, RUN)], sem).wait()

    def transpose(rows, t5f):
        @plsc.parallel_loop(0, CHUNK, unroll=8)
        def _(b):
            base = (b // 128) * 1024 + (b % 128)
            bb = jnp.full((16,), base, jnp.int32)
            plsc.store_scatter(t5f, [p0 + bb], rows[b, 0:16])
            plsc.store_scatter(t5f, [p1 + bb], rows[b, 16:32])

    pltpu.async_copy(table_hbm.at[idx_all.at[0]], rows0, gsem0)

    def pair(t, carry):
        ja = 2 * t
        jb = 2 * t + 1

        gb = pltpu.async_copy(table_hbm.at[idx_all.at[jb]], rows1, gsem1)

        pltpu.make_async_copy(table_hbm.at[idx_all.at[ja]], rows0, gsem0).wait()
        @pl.when(t > 0)
        def _():
            drain_store(t50, ssem0)
        transpose(rows0, t50)
        store_job(t50, job_base + ja, ssem0)

        nxt = jnp.minimum(2 * t + 2, JOBS_PER_W - 2)
        pltpu.async_copy(table_hbm.at[idx_all.at[nxt]], rows0, gsem0)

        gb.wait()
        @pl.when(t > 0)
        def _():
            drain_store(t51, ssem1)
        transpose(rows1, t51)
        store_job(t51, job_base + jb, ssem1)
        return carry

    lax.fori_loop(0, PAIRS, pair, 0)

    pltpu.make_async_copy(table_hbm.at[idx_all.at[JOBS_PER_W - 2]],
                          rows0, gsem0).wait()
    drain_store(t50, ssem0)
    drain_store(t51, ssem1)


@jax.jit
def _gather(idx_lin, table):
    mesh = plsc.VectorSubcoreMesh(core_axis_name="c", subcore_axis_name="s")
    f = functools.partial(
        pl.kernel,
        mesh=mesh,
        out_type=jax.ShapeDtypeStruct(
            (SEQ, SUB_TILES, (BATCH // 128) * 1024), jnp.float32),
        scratch_types=[
            pltpu.VMEM((JOBS_PER_W, CHUNK), jnp.int32),
            pltpu.VMEM((CHUNK, EMBED_DIM), jnp.float32),
            pltpu.VMEM((CHUNK, EMBED_DIM), jnp.float32),
            pltpu.VMEM((T5,), jnp.float32),
            pltpu.VMEM((T5,), jnp.float32),
            pltpu.SemaphoreType.DMA,
            pltpu.SemaphoreType.DMA,
            pltpu.SemaphoreType.DMA,
            pltpu.SemaphoreType.DMA,
        ],
        compiler_params=pltpu.CompilerParams(
            use_tc_tiling_on_sc=False, needs_layout_passes=False,
            disable_bounds_checks=True),
    )(_body)
    return f(idx_lin, table)


def kernel(sentence_tokens, embedding_table):
    idx_lin = sentence_tokens.T.reshape(NUM_JOBS, CHUNK).astype(jnp.int32)
    out3 = _gather(idx_lin, embedding_table)
    out5 = out3.reshape(SEQ, SUB_TILES, BATCH // 128, 8, 128)
    res = out5.transpose(0, 1, 3, 2, 4).reshape(SEQ, EMBED_DIM, BATCH)
    return res.transpose(2, 0, 1)

# --- scband reference (transcript-rebuilt; emitter-appended) ---
"""Pipeline reference for scband-feature-extractor-1-83494164234896 (READ-ONLY COPY).

The authoritative reference and input builder live on the scoring server;
editing this copy changes nothing except your own understanding.
"""

import jax, jax.numpy as jnp
import numpy as np

VOCAB = 1000000
EMBED_DIM = 32
BATCH = 4096
SEQ = 200

def setup_inputs(seed: int = 0) -> dict:
    key = jax.random.key(seed)
    k_idx, k_tab = jax.random.split(key)
    sentence_tokens = jax.random.randint(k_idx, (BATCH, SEQ), 0, VOCAB, dtype=jnp.int64 if jax.config.jax_enable_x64 else jnp.int32)
    embedding_table = jax.random.normal(k_tab, (VOCAB, EMBED_DIM), dtype=jnp.float32)
    return {"sentence_tokens": sentence_tokens, "embedding_table": embedding_table}

def reference(sentence_tokens, embedding_table):
    # nn.Embedding forward: gather rows of the table by token id
    embedded = jnp.take(embedding_table, sentence_tokens, axis=0)
    return embedded

if __name__ == "__main__":
    import jax
    _d = setup_inputs()
    print(jax.jit(kernel)(*tuple(_d.values())))

</pallas_src>

<mosaic_0001>
#map = affine_map<(d0, d1) -> (0, 0)>
#map1 = affine_map<(d0, d1) -> (0, 0, 0)>
module attributes {stable_mosaic.version = 14 : i64} {
  func.func @_body(%arg0: i32, %arg1: i32, %arg2: memref<1600x512xi32, #tpu.memory_space<hbm>>, %arg3: memref<1000000x32xf32, #tpu.memory_space<hbm>>, %arg4: memref<200x4x32768xf32, #tpu.memory_space<hbm>>, %arg5: memref<50x512xi32, #tpu.memory_space<vmem>>, %arg6: memref<512x32xf32, #tpu.memory_space<vmem>>, %arg7: memref<512x32xf32, #tpu.memory_space<vmem>>, %arg8: memref<16384xf32, #tpu.memory_space<vmem>>, %arg9: memref<16384xf32, #tpu.memory_space<vmem>>, %arg10: memref<!tpu.dma_semaphore, #tpu.memory_space<semaphore_mem>>, %arg11: memref<!tpu.dma_semaphore, #tpu.memory_space<semaphore_mem>>, %arg12: memref<!tpu.dma_semaphore, #tpu.memory_space<semaphore_mem>>, %arg13: memref<!tpu.dma_semaphore, #tpu.memory_space<semaphore_mem>>) attributes {dimension_semantics = [#tpu.dimension_semantics<core_parallel>, #tpu.dimension_semantics<subcore_parallel>], iteration_bounds = array<i64: 2, 16>, scalar_prefetch = 0 : i64, scratch_operands = 9 : i64, tpu.core_type = #tpu.core_type<sc_vector_subcore>, window_params = [{transform_indices = #map}, {transform_indices = #map}, {transform_indices = #map1}]} {
    %mul3A = arith.constant 2 : i32
    %mul3A_0 = arith.muli %arg1, %mul3A : i32
    %add3A = arith.addi %mul3A_0, %arg0 : i32
    %mul3A_1 = arith.constant 50 : i32
    %mul3A_2 = arith.muli %add3A, %mul3A_1 : i32
    %iota3A = tpu.iota {dimensions = array<i32: 0>} : vector<16xi32>
    %jit3A = arith.constant 8 : i32
    %div3A = vector.broadcast %jit3A : i32 to vector<16xi32>
    %div3A_3 = arith.divsi %iota3A, %div3A : vector<16xi32>
    %sign3A = arith.constant 0 : i32
    %sign3A_4 = vector.broadcast %sign3A : i32 to vector<16xi32>
    %sign3A_5 = arith.cmpi sgt, %iota3A, %sign3A_4 : vector<16xi32>
    %sign3A_6 = arith.extui %sign3A_5 : vector<16xi1> to vector<16xi32>
    %sign3A_7 = arith.constant 0 : i32
    %sign3A_8 = vector.broadcast %sign3A_7 : i32 to vector<16xi32>
    %sign3A_9 = arith.cmpi slt, %iota3A, %sign3A_8 : vector<16xi32>
    %sign3A_10 = arith.extui %sign3A_9 : vector<16xi1> to vector<16xi32>
    %sign3A_11 = arith.subi %sign3A_6, %sign3A_10 : vector<16xi32>
    %sign3A_12 = arith.constant 0 : i32
    %sign3A_13 = arith.cmpi sgt, %jit3A, %sign3A_12 : i32
    %sign3A_14 = arith.extui %sign3A_13 : i1 to i32
    %sign3A_15 = arith.constant 0 : i32
    %sign3A_16 = arith.cmpi slt, %jit3A, %sign3A_15 : i32
    %sign3A_17 = arith.extui %sign3A_16 : i1 to i32
    %sign3A_18 = arith.subi %sign3A_14, %sign3A_17 : i32
    %ne3A = vector.broadcast %sign3A_18 : i32 to vector<16xi32>
    %ne3A_19 = arith.cmpi ne, %sign3A_11, %ne3A : vector<16xi32>
    %rem3A = vector.broadcast %jit3A : i32 to vector<16xi32>
    %rem3A_20 = arith.remsi %iota3A, %rem3A : vector<16xi32>
    %ne3A_21 = arith.constant 0 : i32
    %ne3A_22 = vector.broadcast %ne3A_21 : i32 to vector<16xi32>
    %ne3A_23 = arith.cmpi ne, %rem3A_20, %ne3A_22 : vector<16xi32>
    %and3A = arith.andi %ne3A_19, %ne3A_23 : vector<16xi1>
    %sub3A = arith.constant 1 : i32
    %sub3A_24 = vector.broadcast %sub3A : i32 to vector<16xi32>
    %sub3A_25 = arith.subi %div3A_3, %sub3A_24 : vector<16xi32>
    %select_n3A = arith.select %and3A, %sub3A_25, %div3A_3 : vector<16xi1>, vector<16xi32>
    %mul3A_26 = arith.constant 4096 : i32
    %mul3A_27 = vector.broadcast %mul3A_26 : i32 to vector<16xi32>
    %mul3A_28 = arith.muli %select_n3A, %mul3A_27 : vector<16xi32>
    %jit3A_29 = arith.constant 8 : i32
    %eq3A = arith.constant 0 : i32
    %eq3A_30 = arith.cmpi eq, %jit3A_29, %eq3A : i32
    %jit3A_31 = arith.constant 1 : i32
    %select_n3A_32 = arith.select %eq3A_30, %jit3A_31, %jit3A_29 : i32
    %rem3A_33 = vector.broadcast %select_n3A_32 : i32 to vector<16xi32>
    %rem3A_34 = arith.remsi %iota3A, %rem3A_33 : vector<16xi32>
    %ne3A_35 = arith.constant 0 : i32
    %ne3A_36 = vector.broadcast %ne3A_35 : i32 to vector<16xi32>
    %ne3A_37 = arith.cmpi ne, %rem3A_34, %ne3A_36 : vector<16xi32>
    %lt3A = arith.constant 0 : i32
    %lt3A_38 = vector.broadcast %lt3A : i32 to vector<16xi32>
    %lt3A_39 = arith.cmpi slt, %rem3A_34, %lt3A_38 : vector<16xi32>
    %lt3A_40 = arith.constant 0 : i32
    %lt3A_41 = arith.cmpi slt, %select_n3A_32, %lt3A_40 : i32
    %ne3A_42 = vector.broadcast %lt3A_41 : i1 to vector<16xi1>
    %ne3A_43 = vector.broadcast %ne3A_42 : vector<16xi1> to vector<16xi1>
    %ne3A_44 = arith.xori %lt3A_39, %ne3A_43 : vector<16xi1>
    %and3A_45 = arith.andi %ne3A_44, %ne3A_37 : vector<16xi1>
    %add3A_46 = vector.broadcast %select_n3A_32 : i32 to vector<16xi32>
    %add3A_47 = arith.addi %rem3A_34, %add3A_46 : vector<16xi32>
    %select_n3A_48 = arith.select %and3A_45, %add3A_47, %rem3A_34 : vector<16xi1>, vector<16xi32>
    %mul3A_49 = arith.constant 128 : i32
    %mul3A_50 = vector.broadcast %mul3A_49 : i32 to vector<16xi32>
    %mul3A_51 = arith.muli %select_n3A_48, %mul3A_50 : vector<16xi32>
    %add3A_52 = arith.addi %mul3A_28, %mul3A_51 : vector<16xi32>
    %add3A_53 = arith.constant 8192 : i32
    %add3A_54 = vector.broadcast %add3A_53 : i32 to vector<16xi32>
    %add3A_55 = arith.addi %add3A_52, %add3A_54 : vector<16xi32>
    %mul3A_56 = arith.constant 50 : i32
    %mul3A_57 = arith.muli %add3A, %mul3A_56 : i32
    "tpu.region"() ({
      %run_scoped3A = tpu.sem_alloc : memref<!tpu.dma_semaphore, #tpu.memory_space<semaphore_mem>>
      %dma_start3A_171 = arith.constant 0 : i32
      %dma_start3A_172 = tpu.memref_slice %arg2[%mul3A_57, %dma_start3A_171] : memref<1600x512xi32, #tpu.memory_space<hbm>> -> memref<50x512xi32, #tpu.memory_space<hbm>>
      %dma_start3A_173 = arith.constant 0 : i32
      %dma_start3A_174 = tpu.memref_slice %arg2[%mul3A_57, %dma_start3A_173] : memref<1600x512xi32, #tpu.memory_space<hbm>> -> memref<50x512xi32, #tpu.memory_space<hbm>>
      tpu.enqueue_dma source(%dma_start3A_174 : memref<50x512xi32, #tpu.memory_space<hbm>>) target(%arg5 : memref<50x512xi32, #tpu.memory_space<vmem>>) target_semaphore(%run_scoped3A : memref<!tpu.dma_semaphore, #tpu.memory_space<semaphore_mem>>)
      %dma_wait3A_175 = arith.constant 0 : i32
      %dma_wait3A_176 = tpu.memref_slice %arg2[%mul3A_57, %dma_wait3A_175] : memref<1600x512xi32, #tpu.memory_space<hbm>> -> memref<50x512xi32, #tpu.memory_space<hbm>>
      %dma_wait3A_177 = arith.constant 0 : i32
      %dma_wait3A_178 = tpu.memref_slice %arg2[%mul3A_57, %dma_wait3A_177] : memref<1600x512xi32, #tpu.memory_space<hbm>> -> memref<50x512xi32, #tpu.memory_space<hbm>>
      tpu.wait_dma2 semaphore(%run_scoped3A : memref<!tpu.dma_semaphore, #tpu.memory_space<semaphore_mem>>) src(%dma_wait3A_178 : memref<50x512xi32, #tpu.memory_space<hbm>>) dst(%arg5 : memref<50x512xi32, #tpu.memory_space<vmem>>)
      tpu.yield
    }) : () -> ()
    %dma_start3A = arith.constant 0 : i32
    %dma_start3A_58 = arith.constant 0 : i32
    %dma_start3A_59 = tpu.memref_slice %arg5[%dma_start3A, %dma_start3A_58] : memref<50x512xi32, #tpu.memory_space<vmem>> -> memref<1x512xi32, #tpu.memory_space<vmem>>
    %dma_start3A_60 = tpu.memref_squeeze %dma_start3A_59 : memref<1x512xi32, #tpu.memory_space<vmem>> -> memref<512xi32, #tpu.memory_space<vmem>>
    %dma_start3A_61 = arith.constant 0 : i32
    %dma_start3A_62 = arith.constant 0 : i32
    %dma_start3A_63 = tpu.memref_slice %arg3[%dma_start3A_61, %dma_start3A_62] : memref<1000000x32xf32, #tpu.memory_space<hbm>> -> memref<1000000x32xf32, #tpu.memory_space<hbm>>
    tpu.enqueue_indirect_dma source(%dma_start3A_63 : memref<1000000x32xf32, #tpu.memory_space<hbm>>) target(%arg6 : memref<512x32xf32, #tpu.memory_space<vmem>>) offsets(%dma_start3A_60 : memref<512xi32, #tpu.memory_space<vmem>>) semaphore(%arg10 : memref<!tpu.dma_semaphore, #tpu.memory_space<semaphore_mem>>)
    %scan3A = arith.constant 0 : i32
    %scan3A_64 = arith.constant 0 : i32
    %scan3A_65 = arith.constant 25 : i32
    %scan3A_66 = arith.addi %scan3A_64, %scan3A_65 : i32
    %scan3A_67 = arith.constant 1 : i32
    scf.for %scan3A_171 = %scan3A_64 to %scan3A_66 step %scan3A_67  : i32 {
      %mul3A_172 = arith.constant 2 : i32
      %mul3A_173 = arith.muli %mul3A_172, %scan3A_171 : i32
      %mul3A_174 = arith.constant 2 : i32
      %mul3A_175 = arith.muli %mul3A_174, %scan3A_171 : i32
      %add3A_176 = arith.constant 1 : i32
      %add3A_177 = arith.addi %mul3A_175, %add3A_176 : i32
      %dma_start3A_178 = arith.constant 0 : i32
      %dma_start3A_179 = tpu.memref_slice %arg5[%add3A_177, %dma_start3A_178] : memref<50x512xi32, #tpu.memory_space<vmem>> -> memref<1x512xi32, #tpu.memory_space<vmem>>
      %dma_start3A_180 = tpu.memref_squeeze %dma_start3A_179 : memref<1x512xi32, #tpu.memory_space<vmem>> -> memref<512xi32, #tpu.memory_space<vmem>>
      %dma_start3A_181 = arith.constant 0 : i32
      %dma_start3A_182 = arith.constant 0 : i32
      %dma_start3A_183 = tpu.memref_slice %arg3[%dma_start3A_181, %dma_start3A_182] : memref<1000000x32xf32, #tpu.memory_space<hbm>> -> memref<1000000x32xf32, #tpu.memory_space<hbm>>
      tpu.enqueue_indirect_dma source(%dma_start3A_183 : memref<1000000x32xf32, #tpu.memory_space<hbm>>) target(%arg7 : memref<512x32xf32, #tpu.memory_space<vmem>>) offsets(%dma_start3A_180 : memref<512xi32, #tpu.memory_space<vmem>>) semaphore(%arg11 : memref<!tpu.dma_semaphore, #tpu.memory_space<semaphore_mem>>)
      %dma_wait3A_184 = arith.constant 0 : i32
      %dma_wait3A_185 = tpu.memref_slice %arg5[%mul3A_173, %dma_wait3A_184] : memref<50x512xi32, #tpu.memory_space<vmem>> -> memref<1x512xi32, #tpu.memory_space<vmem>>
      %dma_wait3A_186 = tpu.memref_squeeze %dma_wait3A_185 : memref<1x512xi32, #tpu.memory_space<vmem>> -> memref<512xi32, #tpu.memory_space<vmem>>
      %dma_wait3A_187 = arith.constant 0 : i32
      %dma_wait3A_188 = arith.constant 0 : i32
      %dma_wait3A_189 = tpu.memref_slice %arg3[%dma_wait3A_187, %dma_wait3A_188] : memref<1000000x32xf32, #tpu.memory_space<hbm>> -> memref<1000000x32xf32, #tpu.memory_space<hbm>>
      tpu.wait_indirect_dma semaphore(%arg10 : memref<!tpu.dma_semaphore, #tpu.memory_space<semaphore_mem>>) src(%dma_wait3A_189 : memref<1000000x32xf32, #tpu.memory_space<hbm>>) dst(%arg6 : memref<512x32xf32, #tpu.memory_space<vmem>>)
      %gt3A = arith.constant 0 : i32
      %gt3A_190 = arith.cmpi sgt, %scan3A_171, %gt3A : i32
      %convert_element_type3A = arith.extui %gt3A_190 : i1 to i32
      %cond3A = arith.constant 0 : i32
      %cond3A_191 = arith.cmpi ne, %convert_element_type3A, %cond3A : i32
      scf.if %cond3A_191 {
        %dma_wait3A_381 = arith.constant 0 : i32
        %dma_wait3A_382 = arith.constant 0 : i32
        %dma_wait3A_383 = arith.constant 0 : i32
        %dma_wait3A_384 = tpu.memref_slice %arg8[%dma_wait3A_383] : memref<16384xf32, #tpu.memory_space<vmem>> -> memref<4096xf32, #tpu.memory_space<vmem>>
        %dma_wait3A_385 = arith.constant 0 : i32
        %dma_wait3A_386 = tpu.memref_slice %arg4[%dma_wait3A_381, %dma_wait3A_382, %dma_wait3A_385] : memref<200x4x32768xf32, #tpu.memory_space<hbm>> -> memref<1x1x4096xf32, #tpu.memory_space<hbm>>
        %dma_wait3A_387 = tpu.memref_squeeze %dma_wait3A_386 : memref<1x1x4096xf32, #tpu.memory_space<hbm>> -> memref<4096xf32, #tpu.memory_space<hbm>>
        %dma_wait3A_388 = arith.constant 0 : i32
        %dma_wait3A_389 = tpu.memref_slice %arg4[%dma_wait3A_381, %dma_wait3A_382, %dma_wait3A_388] : memref<200x4x32768xf32, #tpu.memory_space<hbm>> -> memref<1x1x4096xf32, #tpu.memory_space<hbm>>
        %dma_wait3A_390 = tpu.memref_squeeze %dma_wait3A_389 : memref<1x1x4096xf32, #tpu.memory_space<hbm>> -> memref<4096xf32, #tpu.memory_space<hbm>>
        %dma_wait3A_391 = arith.constant 0 : i32
        %dma_wait3A_392 = tpu.memref_slice %arg8[%dma_wait3A_391] : memref<16384xf32, #tpu.memory_space<vmem>> -> memref<4096xf32, #tpu.memory_space<vmem>>
        tpu.wait_dma2 semaphore(%arg12 : memref<!tpu.dma_semaphore, #tpu.memory_space<semaphore_mem>>) src(%dma_wait3A_392 : memref<4096xf32, #tpu.memory_space<vmem>>) dst(%dma_wait3A_390 : memref<4096xf32, #tpu.memory_space<hbm>>)
        %dma_wait3A_393 = arith.constant 0 : i32
        %dma_wait3A_394 = arith.constant 1 : i32
        %dma_wait3A_395 = arith.constant 4096 : i32
        %dma_wait3A_396 = tpu.memref_slice %arg8[%dma_wait3A_395] : memref<16384xf32, #tpu.memory_space<vmem>> -> memref<4096xf32, #tpu.memory_space<vmem>>
        %dma_wait3A_397 = arith.constant 0 : i32
        %dma_wait3A_398 = tpu.memref_slice %arg4[%dma_wait3A_393, %dma_wait3A_394, %dma_wait3A_397] : memref<200x4x32768xf32, #tpu.memory_space<hbm>> -> memref<1x1x4096xf32, #tpu.memory_space<hbm>>
        %dma_wait3A_399 = tpu.memref_squeeze %dma_wait3A_398 : memref<1x1x4096xf32, #tpu.memory_space<hbm>> -> memref<4096xf32, #tpu.memory_space<hbm>>
        %dma_wait3A_400 = arith.constant 0 : i32
        %dma_wait3A_401 = tpu.memref_slice %arg4[%dma_wait3A_393, %dma_wait3A_394, %dma_wait3A_400] : memref<200x4x32768xf32, #tpu.memory_space<hbm>> -> memref<1x1x4096xf32, #tpu.memory_space<hbm>>
        %dma_wait3A_402 = tpu.memref_squeeze %dma_wait3A_401 : memref<1x1x4096xf32, #tpu.memory_space<hbm>> -> memref<4096xf32, #tpu.memory_space<hbm>>
        %dma_wait3A_403 = arith.constant 4096 : i32
        %dma_wait3A_404 = tpu.memref_slice %arg8[%dma_wait3A_403] : memref<16384xf32, #tpu.memory_space<vmem>> -> memref<4096xf32, #tpu.memory_space<vmem>>
        tpu.wait_dma2 semaphore(%arg12 : memref<!tpu.dma_semaphore, #tpu.memory_space<semaphore_mem>>) src(%dma_wait3A_404 : memref<4096xf32, #tpu.memory_space<vmem>>) dst(%dma_wait3A_402 : memref<4096xf32, #tpu.memory_space<hbm>>)
        %dma_wait3A_405 = arith.constant 0 : i32
        %dma_wait3A_406 = arith.constant 2 : i32
        %dma_wait3A_407 = arith.constant 8192 : i32
        %dma_wait3A_408 = tpu.memref_slice %arg8[%dma_wait3A_407] : memref<16384xf32, #tpu.memory_space<vmem>> -> memref<4096xf32, #tpu.memory_space<vmem>>
        %dma_wait3A_409 = arith.constant 0 : i32
        %dma_wait3A_410 = tpu.memref_slice %arg4[%dma_wait3A_405, %dma_wait3A_406, %dma_wait3A_409] : memref<200x4x32768xf32, #tpu.memory_space<hbm>> -> memref<1x1x4096xf32, #tpu.memory_space<hbm>>
        %dma_wait3A_411 = tpu.memref_squeeze %dma_wait3A_410 : memref<1x1x4096xf32, #tpu.memory_space<hbm>> -> memref<4096xf32, #tpu.memory_space<hbm>>
        %dma_wait3A_412 = arith.constant 0 : i32
        %dma_wait3A_413 = tpu.memref_slice %arg4[%dma_wait3A_405, %dma_wait3A_406, %dma_wait3A_412] : memref<200x4x32768xf32, #tpu.memory_space<hbm>> -> memref<1x1x4096xf32, #tpu.memory_space<hbm>>
        %dma_wait3A_414 = tpu.memref_squeeze %dma_wait3A_413 : memref<1x1x4096xf32, #tpu.memory_space<hbm>> -> memref<4096xf32, #tpu.memory_space<hbm>>
        %dma_wait3A_415 = arith.constant 8192 : i32
        %dma_wait3A_416 = tpu.memref_slice %arg8[%dma_wait3A_415] : memref<16384xf32, #tpu.memory_space<vmem>> -> memref<4096xf32, #tpu.memory_space<vmem>>
        tpu.wait_dma2 semaphore(%arg12 : memref<!tpu.dma_semaphore, #tpu.memory_space<semaphore_mem>>) src(%dma_wait3A_416 : memref<4096xf32, #tpu.memory_space<vmem>>) dst(%dma_wait3A_414 : memref<4096xf32, #tpu.memory_space<hbm>>)
        %dma_wait3A_417 = arith.constant 0 : i32
        %dma_wait3A_418 = arith.constant 3 : i32
        %dma_wait3A_419 = arith.constant 12288 : i32
        %dma_wait3A_420 = tpu.memref_slice %arg8[%dma_wait3A_419] : memref<16384xf32, #tpu.memory_space<vmem>> -> memref<4096xf32, #tpu.memory_space<vmem>>
        %dma_wait3A_421 = arith.constant 0 : i32
        %dma_wait3A_422 = tpu.memref_slice %arg4[%dma_wait3A_417, %dma_wait3A_418, %dma_wait3A_421] : memref<200x4x32768xf32, #tpu.memory_space<hbm>> -> memref<1x1x4096xf32, #tpu.memory_space<hbm>>
        %dma_wait3A_423 = tpu.memref_squeeze %dma_wait3A_422 : memref<1x1x4096xf32, #tpu.memory_space<hbm>> -> memref<4096xf32, #tpu.memory_space<hbm>>
        %dma_wait3A_424 = arith.constant 0 : i32
        %dma_wait3A_425 = tpu.memref_slice %arg4[%dma_wait3A_417, %dma_wait3A_418, %dma_wait3A_424] : memref<200x4x32768xf32, #tpu.memory_space<hbm>> -> memref<1x1x4096xf32, #tpu.memory_space<hbm>>
        %dma_wait3A_426 = tpu.memref_squeeze %dma_wait3A_425 : memref<1x1x4096xf32, #tpu.memory_space<hbm>> -> memref<4096xf32, #tpu.memory_space<hbm>>
        %dma_wait3A_427 = arith.constant 12288 : i32
        %dma_wait3A_428 = tpu.memref_slice %arg8[%dma_wait3A_427] : memref<16384xf32, #tpu.memory_space<vmem>> -> memref<4096xf32, #tpu.memory_space<vmem>>
        tpu.wait_dma2 semaphore(%arg12 : memref<!tpu.dma_semaphore, #tpu.memory_space<semaphore_mem>>) src(%dma_wait3A_428 : memref<4096xf32, #tpu.memory_space<vmem>>) dst(%dma_wait3A_426 : memref<4096xf32, #tpu.memory_space<hbm>>)
      } else {
      }
      %parallel_loop3A = arith.constant 0 : i32
      %parallel_loop3A_192 = arith.constant 512 : i32
      %parallel_loop3A_193 = arith.constant 1 : i32
      scf.for %parallel_loop3A_381 = %parallel_loop3A to %parallel_loop3A_192 step %parallel_loop3A_193  : i32 {
        %parallel_loop3A_382 = arith.constant 128 : i32
        %parallel_loop3A_383 = arith.divsi %parallel_loop3A_381, %parallel_loop3A_382 : i32
        %parallel_loop3A_384 = arith.constant 0 : i32
        %parallel_loop3A_385 = arith.cmpi sgt, %parallel_loop3A_381, %parallel_loop3A_384 : i32
        %parallel_loop3A_386 = arith.extui %parallel_loop3A_385 : i1 to i32
        %parallel_loop3A_387 = arith.constant 0 : i32
        %parallel_loop3A_388 = arith.cmpi slt, %parallel_loop3A_381, %parallel_loop3A_387 : i32
        %parallel_loop3A_389 = arith.extui %parallel_loop3A_388 : i1 to i32
        %parallel_loop3A_390 = arith.subi %parallel_loop3A_386, %parallel_loop3A_389 : i32
        %parallel_loop3A_391 = arith.constant 0 : i32
        %parallel_loop3A_392 = arith.cmpi sgt, %parallel_loop3A_382, %parallel_loop3A_391 : i32
        %parallel_loop3A_393 = arith.extui %parallel_loop3A_392 : i1 to i32
        %parallel_loop3A_394 = arith.constant 0 : i32
        %parallel_loop3A_395 = arith.cmpi slt, %parallel_loop3A_382, %parallel_loop3A_394 : i32
        %parallel_loop3A_396 = arith.extui %parallel_loop3A_395 : i1 to i32
        %parallel_loop3A_397 = arith.subi %parallel_loop3A_393, %parallel_loop3A_396 : i32
        %parallel_loop3A_398 = arith.cmpi ne, %parallel_loop3A_390, %parallel_loop3A_397 : i32
        %parallel_loop3A_399 = arith.remsi %parallel_loop3A_381, %parallel_loop3A_382 : i32
        %parallel_loop3A_400 = arith.constant 0 : i32
        %parallel_loop3A_401 = arith.cmpi ne, %parallel_loop3A_399, %parallel_loop3A_400 : i32
        %parallel_loop3A_402 = arith.andi %parallel_loop3A_398, %parallel_loop3A_401 : i1
        %parallel_loop3A_403 = arith.constant 1 : i32
        %parallel_loop3A_404 = arith.subi %parallel_loop3A_383, %parallel_loop3A_403 : i32
        %parallel_loop3A_405 = arith.select %parallel_loop3A_402, %parallel_loop3A_404, %parallel_loop3A_383 : i32
        %parallel_loop3A_406 = arith.constant 1024 : i32
        %parallel_loop3A_407 = arith.muli %parallel_loop3A_405, %parallel_loop3A_406 : i32
        %parallel_loop3A_408 = arith.constant 128 : i32
        %parallel_loop3A_409 = arith.constant 0 : i32
        %parallel_loop3A_410 = arith.cmpi eq, %parallel_loop3A_408, %parallel_loop3A_409 : i32
        %parallel_loop3A_411 = arith.constant 1 : i32
        %parallel_loop3A_412 = arith.select %parallel_loop3A_410, %parallel_loop3A_411, %parallel_loop3A_408 : i32
        %parallel_loop3A_413 = arith.remsi %parallel_loop3A_381, %parallel_loop3A_412 : i32
        %parallel_loop3A_414 = arith.constant 0 : i32
        %parallel_loop3A_415 = arith.cmpi ne, %parallel_loop3A_413, %parallel_loop3A_414 : i32
        %parallel_loop3A_416 = arith.constant 0 : i32
        %parallel_loop3A_417 = arith.cmpi slt, %parallel_loop3A_413, %parallel_loop3A_416 : i32
        %parallel_loop3A_418 = arith.constant 0 : i32
        %parallel_loop3A_419 = arith.cmpi slt, %parallel_loop3A_412, %parallel_loop3A_418 : i32
        %parallel_loop3A_420 = arith.xori %parallel_loop3A_417, %parallel_loop3A_419 : i1
        %parallel_loop3A_421 = arith.andi %parallel_loop3A_420, %parallel_loop3A_415 : i1
        %parallel_loop3A_422 = arith.addi %parallel_loop3A_413, %parallel_loop3A_412 : i32
        %parallel_loop3A_423 = arith.select %parallel_loop3A_421, %parallel_loop3A_422, %parallel_loop3A_413 : i32
        %parallel_loop3A_424 = arith.addi %parallel_loop3A_407, %parallel_loop3A_423 : i32
        %parallel_loop3A_425 = vector.broadcast %parallel_loop3A_424 : i32 to vector<16xi32>
        %parallel_loop3A_426 = arith.addi %add3A_52, %parallel_loop3A_425 : vector<16xi32>
        %parallel_loop3A_427 = arith.index_cast %parallel_loop3A_381 : i32 to index
        %parallel_loop3A_428 = arith.constant 0 : index
        %parallel_loop3A_429 = tpu.vector_load %arg6[%parallel_loop3A_427, %parallel_loop3A_428] {strides = array<i32>} : memref<512x32xf32, #tpu.memory_space<vmem>>, vector<16xf32>,
        tpu.vector_store_idx %arg8[%parallel_loop3A_426], %parallel_loop3A_429 : memref<16384xf32, #tpu.memory_space<vmem>>[vector<16xi32>], vector<16xf32>,
        %parallel_loop3A_430 = arith.addi %add3A_55, %parallel_loop3A_425 : vector<16xi32>
        %parallel_loop3A_431 = arith.index_cast %parallel_loop3A_381 : i32 to index
        %parallel_loop3A_432 = arith.constant 16 : index
        %parallel_loop3A_433 = tpu.vector_load %arg6[%parallel_loop3A_431, %parallel_loop3A_432] {strides = array<i32>} : memref<512x32xf32, #tpu.memory_space<vmem>>, vector<16xf32>,
        tpu.vector_store_idx %arg8[%parallel_loop3A_430], %parallel_loop3A_433 : memref<16384xf32, #tpu.memory_space<vmem>>[vector<16xi32>], vector<16xf32>,
      } {sc.loop_unroll_factor = 8 : i64, sc.parallel_access}
      %add3A_194 = arith.addi %mul3A_2, %mul3A_173 : i32
      %jit3A_195 = arith.constant 8 : i32
      %div3A_196 = arith.divsi %add3A_194, %jit3A_195 : i32
      %sign3A_197 = arith.constant 0 : i32
      %sign3A_198 = arith.cmpi sgt, %add3A_194, %sign3A_197 : i32
      %sign3A_199 = arith.extui %sign3A_198 : i1 to i32
      %sign3A_200 = arith.constant 0 : i32
      %sign3A_201 = arith.cmpi slt, %add3A_194, %sign3A_200 : i32
      %sign3A_202 = arith.extui %sign3A_201 : i1 to i32
      %sign3A_203 = arith.subi %sign3A_199, %sign3A_202 : i32
      %sign3A_204 = arith.constant 0 : i32
      %sign3A_205 = arith.cmpi sgt, %jit3A_195, %sign3A_204 : i32
      %sign3A_206 = arith.extui %sign3A_205 : i1 to i32
      %sign3A_207 = arith.constant 0 : i32
      %sign3A_208 = arith.cmpi slt, %jit3A_195, %sign3A_207 : i32
      %sign3A_209 = arith.extui %sign3A_208 : i1 to i32
      %sign3A_210 = arith.subi %sign3A_206, %sign3A_209 : i32
      %ne3A_211 = arith.cmpi ne, %sign3A_203, %sign3A_210 : i32
      %rem3A_212 = arith.remsi %add3A_194, %jit3A_195 : i32
      %ne3A_213 = arith.constant 0 : i32
      %ne3A_214 = arith.cmpi ne, %rem3A_212, %ne3A_213 : i32
      %and3A_215 = arith.andi %ne3A_211, %ne3A_214 : i1
      %sub3A_216 = arith.constant 1 : i32
      %sub3A_217 = arith.subi %div3A_196, %sub3A_216 : i32
      %select_n3A_218 = arith.select %and3A_215, %sub3A_217, %div3A_196 : i32
      %jit3A_219 = arith.constant 8 : i32
      %eq3A_220 = arith.constant 0 : i32
      %eq3A_221 = arith.cmpi eq, %jit3A_219, %eq3A_220 : i32
      %jit3A_222 = arith.constant 1 : i32
      %select_n3A_223 = arith.select %eq3A_221, %jit3A_222, %jit3A_219 : i32
      %rem3A_224 = arith.remsi %add3A_194, %select_n3A_223 : i32
      %ne3A_225 = arith.constant 0 : i32
      %ne3A_226 = arith.cmpi ne, %rem3A_224, %ne3A_225 : i32
      %lt3A_227 = arith.constant 0 : i32
      %lt3A_228 = arith.cmpi slt, %rem3A_224, %lt3A_227 : i32
      %lt3A_229 = arith.constant 0 : i32
      %lt3A_230 = arith.cmpi slt, %select_n3A_223, %lt3A_229 : i32
      %ne3A_231 = arith.xori %lt3A_228, %lt3A_230 : i1
      %and3A_232 = arith.andi %ne3A_231, %ne3A_226 : i1
      %add3A_233 = arith.addi %rem3A_224, %select_n3A_223 : i32
      %select_n3A_234 = arith.select %and3A_232, %add3A_233, %rem3A_224 : i32
      %mul3A_235 = arith.constant 4 : i32
      %mul3A_236 = arith.muli %select_n3A_234, %mul3A_235 : i32
      %mul3A_237 = arith.constant 1024 : i32
      %mul3A_238 = arith.muli %mul3A_236, %mul3A_237 : i32
      %dma_start3A_239 = arith.constant 0 : i32
      %dma_start3A_240 = arith.constant 0 : i32
      %dma_start3A_241 = tpu.memref_slice %arg8[%dma_start3A_240] : memref<16384xf32, #tpu.memory_space<vmem>> -> memref<4096xf32, #tpu.memory_space<vmem>>
      %dma_start3A_242 = tpu.memref_slice %arg4[%select_n3A_218, %dma_start3A_239, %mul3A_238] : memref<200x4x32768xf32, #tpu.memory_space<hbm>> -> memref<1x1x4096xf32, #tpu.memory_space<hbm>>
      %dma_start3A_243 = tpu.memref_squeeze %dma_start3A_242 : memref<1x1x4096xf32, #tpu.memory_space<hbm>> -> memref<4096xf32, #tpu.memory_space<hbm>>
      %dma_start3A_244 = tpu.memref_slice %arg4[%select_n3A_218, %dma_start3A_239, %mul3A_238] : memref<200x4x32768xf32, #tpu.memory_space<hbm>> -> memref<1x1x4096xf32, #tpu.memory_space<hbm>>
      %dma_start3A_245 = tpu.memref_squeeze %dma_start3A_244 : memref<1x1x4096xf32, #tpu.memory_space<hbm>> -> memref<4096xf32, #tpu.memory_space<hbm>>
      %dma_start3A_246 = arith.constant 0 : i32
      %dma_start3A_247 = tpu.memref_slice %arg8[%dma_start3A_246] : memref<16384xf32, #tpu.memory_space<vmem>> -> memref<4096xf32, #tpu.memory_space<vmem>>
      tpu.enqueue_dma source(%dma_start3A_247 : memref<4096xf32, #tpu.memory_space<vmem>>) target(%dma_start3A_245 : memref<4096xf32, #tpu.memory_space<hbm>>) target_semaphore(%arg12 : memref<!tpu.dma_semaphore, #tpu.memory_space<semaphore_mem>>)
      %dma_start3A_248 = arith.constant 1 : i32
      %dma_start3A_249 = arith.constant 4096 : i32
      %dma_start3A_250 = tpu.memref_slice %arg8[%dma_start3A_249] : memref<16384xf32, #tpu.memory_space<vmem>> -> memref<4096xf32, #tpu.memory_space<vmem>>
      %dma_start3A_251 = tpu.memref_slice %arg4[%select_n3A_218, %dma_start3A_248, %mul3A_238] : memref<200x4x32768xf32, #tpu.memory_space<hbm>> -> memref<1x1x4096xf32, #tpu.memory_space<hbm>>
      %dma_start3A_252 = tpu.memref_squeeze %dma_start3A_251 : memref<1x1x4096xf32, #tpu.memory_space<hbm>> -> memref<4096xf32, #tpu.memory_space<hbm>>
      %dma_start3A_253 = tpu.memref_slice %arg4[%select_n3A_218, %dma_start3A_248, %mul3A_238] : memref<200x4x32768xf32, #tpu.memory_space<hbm>> -> memref<1x1x4096xf32, #tpu.memory_space<hbm>>
      %dma_start3A_254 = tpu.memref_squeeze %dma_start3A_253 : memref<1x1x4096xf32, #tpu.memory_space<hbm>> -> memref<4096xf32, #tpu.memory_space<hbm>>
      %dma_start3A_255 = arith.constant 4096 : i32
      %dma_start3A_256 = tpu.memref_slice %arg8[%dma_start3A_255] : memref<16384xf32, #tpu.memory_space<vmem>> -> memref<4096xf32, #tpu.memory_space<vmem>>
      tpu.enqueue_dma source(%dma_start3A_256 : memref<4096xf32, #tpu.memory_space<vmem>>) target(%dma_start3A_254 : memref<4096xf32, #tpu.memory_space<hbm>>) target_semaphore(%arg12 : memref<!tpu.dma_semaphore, #tpu.memory_space<semaphore_mem>>)
      %dma_start3A_257 = arith.constant 2 : i32
      %dma_start3A_258 = arith.constant 8192 : i32
      %dma_start3A_259 = tpu.memref_slice %arg8[%dma_start3A_258] : memref<16384xf32, #tpu.memory_space<vmem>> -> memref<4096xf32, #tpu.memory_space<vmem>>
      %dma_start3A_260 = tpu.memref_slice %arg4[%select_n3A_218, %dma_start3A_257, %mul3A_238] : memref<200x4x32768xf32, #tpu.memory_space<hbm>> -> memref<1x1x4096xf32, #tpu.memory_space<hbm>>
      %dma_start3A_261 = tpu.memref_squeeze %dma_start3A_260 : memref<1x1x4096xf32, #tpu.memory_space<hbm>> -> memref<4096xf32, #tpu.memory_space<hbm>>
      %dma_start3A_262 = tpu.memref_slice %arg4[%select_n3A_218, %dma_start3A_257, %mul3A_238] : memref<200x4x32768xf32, #tpu.memory_space<hbm>> -> memref<1x1x4096xf32, #tpu.memory_space<hbm>>
      %dma_start3A_263 = tpu.memref_squeeze %dma_start3A_262 : memref<1x1x4096xf32, #tpu.memory_space<hbm>> -> memref<4096xf32, #tpu.memory_space<hbm>>
      %dma_start3A_264 = arith.constant 8192 : i32
      %dma_start3A_265 = tpu.memref_slice %arg8[%dma_start3A_264] : memref<16384xf32, #tpu.memory_space<vmem>> -> memref<4096xf32, #tpu.memory_space<vmem>>
      tpu.enqueue_dma source(%dma_start3A_265 : memref<4096xf32, #tpu.memory_space<vmem>>) target(%dma_start3A_263 : memref<4096xf32, #tpu.memory_space<hbm>>) target_semaphore(%arg12 : memref<!tpu.dma_semaphore, #tpu.memory_space<semaphore_mem>>)
      %dma_start3A_266 = arith.constant 3 : i32
      %dma_start3A_267 = arith.constant 12288 : i32
      %dma_start3A_268 = tpu.memref_slice %arg8[%dma_start3A_267] : memref<16384xf32, #tpu.memory_space<vmem>> -> memref<4096xf32, #tpu.memory_space<vmem>>
      %dma_start3A_269 = tpu.memref_slice %arg4[%select_n3A_218, %dma_start3A_266, %mul3A_238] : memref<200x4x32768xf32, #tpu.memory_space<hbm>> -> memref<1x1x4096xf32, #tpu.memory_space<hbm>>
      %dma_start3A_270 = tpu.memref_squeeze %dma_start3A_269 : memref<1x1x4096xf32, #tpu.memory_space<hbm>> -> memref<4096xf32, #tpu.memory_space<hbm>>
      %dma_start3A_271 = tpu.memref_slice %arg4[%select_n3A_218, %dma_start3A_266, %mul3A_238] : memref<200x4x32768xf32, #tpu.memory_space<hbm>> -> memref<1x1x4096xf32, #tpu.memory_space<hbm>>
      %dma_start3A_272 = tpu.memref_squeeze %dma_start3A_271 : memref<1x1x4096xf32, #tpu.memory_space<hbm>> -> memref<4096xf32, #tpu.memory_space<hbm>>
      %dma_start3A_273 = arith.constant 12288 : i32
      %dma_start3A_274 = tpu.memref_slice %arg8[%dma_start3A_273] : memref<16384xf32, #tpu.memory_space<vmem>> -> memref<4096xf32, #tpu.memory_space<vmem>>
      tpu.enqueue_dma source(%dma_start3A_274 : memref<4096xf32, #tpu.memory_space<vmem>>) target(%dma_start3A_272 : memref<4096xf32, #tpu.memory_space<hbm>>) target_semaphore(%arg12 : memref<!tpu.dma_semaphore, #tpu.memory_space<semaphore_mem>>)
      %mul3A_275 = arith.constant 2 : i32
      %mul3A_276 = arith.muli %mul3A_275, %scan3A_171 : i32
      %add3A_277 = arith.constant 2 : i32
      %add3A_278 = arith.addi %mul3A_276, %add3A_277 : i32
      %min3A = arith.constant 48 : i32
      %min3A_279 = arith.minsi %add3A_278, %min3A : i32
      %dma_start3A_280 = arith.constant 0 : i32
      %dma_start3A_281 = tpu.memref_slice %arg5[%min3A_279, %dma_start3A_280] : memref<50x512xi32, #tpu.memory_space<vmem>> -> memref<1x512xi32, #tpu.memory_space<vmem>>
      %dma_start3A_282 = tpu.memref_squeeze %dma_start3A_281 : memref<1x512xi32, #tpu.memory_space<vmem>> -> memref<512xi32, #tpu.memory_space<vmem>>
      %dma_start3A_283 = arith.constant 0 : i32
      %dma_start3A_284 = arith.constant 0 : i32
      %dma_start3A_285 = tpu.memref_slice %arg3[%dma_start3A_283, %dma_start3A_284] : memref<1000000x32xf32, #tpu.memory_space<hbm>> -> memref<1000000x32xf32, #tpu.memory_space<hbm>>
      tpu.enqueue_indirect_dma source(%dma_start3A_285 : memref<1000000x32xf32, #tpu.memory_space<hbm>>) target(%arg6 : memref<512x32xf32, #tpu.memory_space<vmem>>) offsets(%dma_start3A_282 : memref<512xi32, #tpu.memory_space<vmem>>) semaphore(%arg10 : memref<!tpu.dma_semaphore, #tpu.memory_space<semaphore_mem>>)
      %dma_wait3A_286 = arith.constant 0 : i32
      %dma_wait3A_287 = tpu.memref_slice %arg5[%add3A_177, %dma_wait3A_286] : memref<50x512xi32, #tpu.memory_space<vmem>> -> memref<1x512xi32, #tpu.memory_space<vmem>>
      %dma_wait3A_288 = tpu.memref_squeeze %dma_wait3A_287 : memref<1x512xi32, #tpu.memory_space<vmem>> -> memref<512xi32, #tpu.memory_space<vmem>>
      %dma_wait3A_289 = arith.constant 0 : i32
      %dma_wait3A_290 = arith.constant 0 : i32
      %dma_wait3A_291 = tpu.memref_slice %arg3[%dma_wait3A_289, %dma_wait3A_290] : memref<1000000x32xf32, #tpu.memory_space<hbm>> -> memref<1000000x32xf32, #tpu.memory_space<hbm>>
      tpu.wait_indirect_dma semaphore(%arg11 : memref<!tpu.dma_semaphore, #tpu.memory_space<semaphore_mem>>) src(%dma_wait3A_291 : memref<1000000x32xf32, #tpu.memory_space<hbm>>) dst(%arg7 : memref<512x32xf32, #tpu.memory_space<vmem>>)
      %gt3A_292 = arith.constant 0 : i32
      %gt3A_293 = arith.cmpi sgt, %scan3A_171, %gt3A_292 : i32
      %convert_element_type3A_294 = arith.extui %gt3A_293 : i1 to i32
      %cond3A_295 = arith.constant 0 : i32
      %cond3A_296 = arith.cmpi ne, %convert_element_type3A_294, %cond3A_295 : i32
      scf.if %cond3A_296 {
        %dma_wait3A_381 = arith.constant 0 : i32
        %dma_wait3A_382 = arith.constant 0 : i32
        %dma_wait3A_383 = arith.constant 0 : i32
        %dma_wait3A_384 = tpu.memref_slice %arg9[%dma_wait3A_383] : memref<16384xf32, #tpu.memory_space<vmem>> -> memref<4096xf32, #tpu.memory_space<vmem>>
        %dma_wait3A_385 = arith.constant 0 : i32
        %dma_wait3A_386 = tpu.memref_slice %arg4[%dma_wait3A_381, %dma_wait3A_382, %dma_wait3A_385] : memref<200x4x32768xf32, #tpu.memory_space<hbm>> -> memref<1x1x4096xf32, #tpu.memory_space<hbm>>
        %dma_wait3A_387 = tpu.memref_squeeze %dma_wait3A_386 : memref<1x1x4096xf32, #tpu.memory_space<hbm>> -> memref<4096xf32, #tpu.memory_space<hbm>>
        %dma_wait3A_388 = arith.constant 0 : i32
        %dma_wait3A_389 = tpu.memref_slice %arg4[%dma_wait3A_381, %dma_wait3A_382, %dma_wait3A_388] : memref<200x4x32768xf32, #tpu.memory_space<hbm>> -> memref<1x1x4096xf32, #tpu.memory_space<hbm>>
        %dma_wait3A_390 = tpu.memref_squeeze %dma_wait3A_389 : memref<1x1x4096xf32, #tpu.memory_space<hbm>> -> memref<4096xf32, #tpu.memory_space<hbm>>
        %dma_wait3A_391 = arith.constant 0 : i32
        %dma_wait3A_392 = tpu.memref_slice %arg9[%dma_wait3A_391] : memref<16384xf32, #tpu.memory_space<vmem>> -> memref<4096xf32, #tpu.memory_space<vmem>>
        tpu.wait_dma2 semaphore(%arg13 : memref<!tpu.dma_semaphore, #tpu.memory_space<semaphore_mem>>) src(%dma_wait3A_392 : memref<4096xf32, #tpu.memory_space<vmem>>) dst(%dma_wait3A_390 : memref<4096xf32, #tpu.memory_space<hbm>>)
        %dma_wait3A_393 = arith.constant 0 : i32
        %dma_wait3A_394 = arith.constant 1 : i32
        %dma_wait3A_395 = arith.constant 4096 : i32
        %dma_wait3A_396 = tpu.memref_slice %arg9[%dma_wait3A_395] : memref<16384xf32, #tpu.memory_space<vmem>> -> memref<4096xf32, #tpu.memory_space<vmem>>
        %dma_wait3A_397 = arith.constant 0 : i32
        %dma_wait3A_398 = tpu.memref_slice %arg4[%dma_wait3A_393, %dma_wait3A_394, %dma_wait3A_397] : memref<200x4x32768xf32, #tpu.memory_space<hbm>> -> memref<1x1x4096xf32, #tpu.memory_space<hbm>>
        %dma_wait3A_399 = tpu.memref_squeeze %dma_wait3A_398 : memref<1x1x4096xf32, #tpu.memory_space<hbm>> -> memref<4096xf32, #tpu.memory_space<hbm>>
        %dma_wait3A_400 = arith.constant 0 : i32
        %dma_wait3A_401 = tpu.memref_slice %arg4[%dma_wait3A_393, %dma_wait3A_394, %dma_wait3A_400] : memref<200x4x32768xf32, #tpu.memory_space<hbm>> -> memref<1x1x4096xf32, #tpu.memory_space<hbm>>
        %dma_wait3A_402 = tpu.memref_squeeze %dma_wait3A_401 : memref<1x1x4096xf32, #tpu.memory_space<hbm>> -> memref<4096xf32, #tpu.memory_space<hbm>>
        %dma_wait3A_403 = arith.constant 4096 : i32
        %dma_wait3A_404 = tpu.memref_slice %arg9[%dma_wait3A_403] : memref<16384xf32, #tpu.memory_space<vmem>> -> memref<4096xf32, #tpu.memory_space<vmem>>
        tpu.wait_dma2 semaphore(%arg13 : memref<!tpu.dma_semaphore, #tpu.memory_space<semaphore_mem>>) src(%dma_wait3A_404 : memref<4096xf32, #tpu.memory_space<vmem>>) dst(%dma_wait3A_402 : memref<4096xf32, #tpu.memory_space<hbm>>)
        %dma_wait3A_405 = arith.constant 0 : i32
        %dma_wait3A_406 = arith.constant 2 : i32
        %dma_wait3A_407 = arith.constant 8192 : i32
        %dma_wait3A_408 = tpu.memref_slice %arg9[%dma_wait3A_407] : memref<16384xf32, #tpu.memory_space<vmem>> -> memref<4096xf32, #tpu.memory_space<vmem>>
        %dma_wait3A_409 = arith.constant 0 : i32
        %dma_wait3A_410 = tpu.memref_slice %arg4[%dma_wait3A_405, %dma_wait3A_406, %dma_wait3A_409] : memref<200x4x32768xf32, #tpu.memory_space<hbm>> -> memref<1x1x4096xf32, #tpu.memory_space<hbm>>
        %dma_wait3A_411 = tpu.memref_squeeze %dma_wait3A_410 : memref<1x1x4096xf32, #tpu.memory_space<hbm>> -> memref<4096xf32, #tpu.memory_space<hbm>>
        %dma_wait3A_412 = arith.constant 0 : i32
        %dma_wait3A_413 = tpu.memref_slice %arg4[%dma_wait3A_405, %dma_wait3A_406, %dma_wait3A_412] : memref<200x4x32768xf32, #tpu.memory_space<hbm>> -> memref<1x1x4096xf32, #tpu.memory_space<hbm>>
        %dma_wait3A_414 = tpu.memref_squeeze %dma_wait3A_413 : memref<1x1x4096xf32, #tpu.memory_space<hbm>> -> memref<4096xf32, #tpu.memory_space<hbm>>
        %dma_wait3A_415 = arith.constant 8192 : i32
        %dma_wait3A_416 = tpu.memref_slice %arg9[%dma_wait3A_415] : memref<16384xf32, #tpu.memory_space<vmem>> -> memref<4096xf32, #tpu.memory_space<vmem>>
        tpu.wait_dma2 semaphore(%arg13 : memref<!tpu.dma_semaphore, #tpu.memory_space<semaphore_mem>>) src(%dma_wait3A_416 : memref<4096xf32, #tpu.memory_space<vmem>>) dst(%dma_wait3A_414 : memref<4096xf32, #tpu.memory_space<hbm>>)
        %dma_wait3A_417 = arith.constant 0 : i32
        %dma_wait3A_418 = arith.constant 3 : i32
        %dma_wait3A_419 = arith.constant 12288 : i32
        %dma_wait3A_420 = tpu.memref_slice %arg9[%dma_wait3A_419] : memref<16384xf32, #tpu.memory_space<vmem>> -> memref<4096xf32, #tpu.memory_space<vmem>>
        %dma_wait3A_421 = arith.constant 0 : i32
        %dma_wait3A_422 = tpu.memref_slice %arg4[%dma_wait3A_417, %dma_wait3A_418, %dma_wait3A_421] : memref<200x4x32768xf32, #tpu.memory_space<hbm>> -> memref<1x1x4096xf32, #tpu.memory_space<hbm>>
        %dma_wait3A_423 = tpu.memref_squeeze %dma_wait3A_422 : memref<1x1x4096xf32, #tpu.memory_space<hbm>> -> memref<4096xf32, #tpu.memory_space<hbm>>
        %dma_wait3A_424 = arith.constant 0 : i32
        %dma_wait3A_425 = tpu.memref_slice %arg4[%dma_wait3A_417, %dma_wait3A_418, %dma_wait3A_424] : memref<200x4x32768xf32, #tpu.memory_space<hbm>> -> memref<1x1x4096xf32, #tpu.memory_space<hbm>>
        %dma_wait3A_426 = tpu.memref_squeeze %dma_wait3A_425 : memref<1x1x4096xf32, #tpu.memory_space<hbm>> -> memref<4096xf32, #tpu.memory_space<hbm>>
        %dma_wait3A_427 = arith.constant 12288 : i32
        %dma_wait3A_428 = tpu.memref_slice %arg9[%dma_wait3A_427] : memref<16384xf32, #tpu.memory_space<vmem>> -> memref<4096xf32, #tpu.memory_space<vmem>>
        tpu.wait_dma2 semaphore(%arg13 : memref<!tpu.dma_semaphore, #tpu.memory_space<semaphore_mem>>) src(%dma_wait3A_428 : memref<4096xf32, #tpu.memory_space<vmem>>) dst(%dma_wait3A_426 : memref<4096xf32, #tpu.memory_space<hbm>>)
      } else {
      }
      %parallel_loop3A_297 = arith.constant 0 : i32
      %parallel_loop3A_298 = arith.constant 512 : i32
      %parallel_loop3A_299 = arith.constant 1 : i32
      scf.for %parallel_loop3A_381 = %parallel_loop3A_297 to %parallel_loop3A_298 step %parallel_loop3A_299  : i32 {
        %parallel_loop3A_382 = arith.constant 128 : i32
        %parallel_loop3A_383 = arith.divsi %parallel_loop3A_381, %parallel_loop3A_382 : i32
        %parallel_loop3A_384 = arith.constant 0 : i32
        %parallel_loop3A_385 = arith.cmpi sgt, %parallel_loop3A_381, %parallel_loop3A_384 : i32
        %parallel_loop3A_386 = arith.extui %parallel_loop3A_385 : i1 to i32
        %parallel_loop3A_387 = arith.constant 0 : i32
        %parallel_loop3A_388 = arith.cmpi slt, %parallel_loop3A_381, %parallel_loop3A_387 : i32
        %parallel_loop3A_389 = arith.extui %parallel_loop3A_388 : i1 to i32
        %parallel_loop3A_390 = arith.subi %parallel_loop3A_386, %parallel_loop3A_389 : i32
        %parallel_loop3A_391 = arith.constant 0 : i32
        %parallel_loop3A_392 = arith.cmpi sgt, %parallel_loop3A_382, %parallel_loop3A_391 : i32
        %parallel_loop3A_393 = arith.extui %parallel_loop3A_392 : i1 to i32
        %parallel_loop3A_394 = arith.constant 0 : i32
        %parallel_loop3A_395 = arith.cmpi slt, %parallel_loop3A_382, %parallel_loop3A_394 : i32
        %parallel_loop3A_396 = arith.extui %parallel_loop3A_395 : i1 to i32
        %parallel_loop3A_397 = arith.subi %parallel_loop3A_393, %parallel_loop3A_396 : i32
        %parallel_loop3A_398 = arith.cmpi ne, %parallel_loop3A_390, %parallel_loop3A_397 : i32
        %parallel_loop3A_399 = arith.remsi %parallel_loop3A_381, %parallel_loop3A_382 : i32
        %parallel_loop3A_400 = arith.constant 0 : i32
        %parallel_loop3A_401 = arith.cmpi ne, %parallel_loop3A_399, %parallel_loop3A_400 : i32
        %parallel_loop3A_402 = arith.andi %parallel_loop3A_398, %parallel_loop3A_401 : i1
        %parallel_loop3A_403 = arith.constant 1 : i32
        %parallel_loop3A_404 = arith.subi %parallel_loop3A_383, %parallel_loop3A_403 : i32
        %parallel_loop3A_405 = arith.select %parallel_loop3A_402, %parallel_loop3A_404, %parallel_loop3A_383 : i32
        %parallel_loop3A_406 = arith.constant 1024 : i32
        %parallel_loop3A_407 = arith.muli %parallel_loop3A_405, %parallel_loop3A_406 : i32
        %parallel_loop3A_408 = arith.constant 128 : i32
        %parallel_loop3A_409 = arith.constant 0 : i32
        %parallel_loop3A_410 = arith.cmpi eq, %parallel_loop3A_408, %parallel_loop3A_409 : i32
        %parallel_loop3A_411 = arith.constant 1 : i32
        %parallel_loop3A_412 = arith.select %parallel_loop3A_410, %parallel_loop3A_411, %parallel_loop3A_408 : i32
        %parallel_loop3A_413 = arith.remsi %parallel_loop3A_381, %parallel_loop3A_412 : i32
        %parallel_loop3A_414 = arith.constant 0 : i32
        %parallel_loop3A_415 = arith.cmpi ne, %parallel_loop3A_413, %parallel_loop3A_414 : i32
        %parallel_loop3A_416 = arith.constant 0 : i32
        %parallel_loop3A_417 = arith.cmpi slt, %parallel_loop3A_413, %parallel_loop3A_416 : i32
        %parallel_loop3A_418 = arith.constant 0 : i32
        %parallel_loop3A_419 = arith.cmpi slt, %parallel_loop3A_412, %parallel_loop3A_418 : i32
        %parallel_loop3A_420 = arith.xori %parallel_loop3A_417, %parallel_loop3A_419 : i1
        %parallel_loop3A_421 = arith.andi %parallel_loop3A_420, %parallel_loop3A_415 : i1
        %parallel_loop3A_422 = arith.addi %parallel_loop3A_413, %parallel_loop3A_412 : i32
        %parallel_loop3A_423 = arith.select %parallel_loop3A_421, %parallel_loop3A_422, %parallel_loop3A_413 : i32
        %parallel_loop3A_424 = arith.addi %parallel_loop3A_407, %parallel_loop3A_423 : i32
        %parallel_loop3A_425 = vector.broadcast %parallel_loop3A_424 : i32 to vector<16xi32>
        %parallel_loop3A_426 = arith.addi %add3A_52, %parallel_loop3A_425 : vector<16xi32>
        %parallel_loop3A_427 = arith.index_cast %parallel_loop3A_381 : i32 to index
        %parallel_loop3A_428 = arith.constant 0 : index
        %parallel_loop3A_429 = tpu.vector_load %arg7[%parallel_loop3A_427, %parallel_loop3A_428] {strides = array<i32>} : memref<512x32xf32, #tpu.memory_space<vmem>>, vector<16xf32>,
        tpu.vector_store_idx %arg9[%parallel_loop3A_426], %parallel_loop3A_429 : memref<16384xf32, #tpu.memory_space<vmem>>[vector<16xi32>], vector<16xf32>,
        %parallel_loop3A_430 = arith.addi %add3A_55, %parallel_loop3A_425 : vector<16xi32>
        %parallel_loop3A_431 = arith.index_cast %parallel_loop3A_381 : i32 to index
        %parallel_loop3A_432 = arith.constant 16 : index
        %parallel_loop3A_433 = tpu.vector_load %arg7[%parallel_loop3A_431, %parallel_loop3A_432] {strides = array<i32>} : memref<512x32xf32, #tpu.memory_space<vmem>>, vector<16xf32>,
        tpu.vector_store_idx %arg9[%parallel_loop3A_430], %parallel_loop3A_433 : memref<16384xf32, #tpu.memory_space<vmem>>[vector<16xi32>], vector<16xf32>,
      } {sc.loop_unroll_factor = 8 : i64, sc.parallel_access}
      %add3A_300 = arith.addi %mul3A_2, %add3A_177 : i32
      %jit3A_301 = arith.constant 8 : i32
      %div3A_302 = arith.divsi %add3A_300, %jit3A_301 : i32
      %sign3A_303 = arith.constant 0 : i32
      %sign3A_304 = arith.cmpi sgt, %add3A_300, %sign3A_303 : i32
      %sign3A_305 = arith.extui %sign3A_304 : i1 to i32
      %sign3A_306 = arith.constant 0 : i32
      %sign3A_307 = arith.cmpi slt, %add3A_300, %sign3A_306 : i32
      %sign3A_308 = arith.extui %sign3A_307 : i1 to i32
      %sign3A_309 = arith.subi %sign3A_305, %sign3A_308 : i32
      %sign3A_310 = arith.constant 0 : i32
      %sign3A_311 = arith.cmpi sgt, %jit3A_301, %sign3A_310 : i32
      %sign3A_312 = arith.extui %sign3A_311 : i1 to i32
      %sign3A_313 = arith.constant 0 : i32
      %sign3A_314 = arith.cmpi slt, %jit3A_301, %sign3A_313 : i32
      %sign3A_315 = arith.extui %sign3A_314 : i1 to i32
      %sign3A_316 = arith.subi %sign3A_312, %sign3A_315 : i32
      %ne3A_317 = arith.cmpi ne, %sign3A_309, %sign3A_316 : i32
      %rem3A_318 = arith.remsi %add3A_300, %jit3A_301 : i32
      %ne3A_319 = arith.constant 0 : i32
      %ne3A_320 = arith.cmpi ne, %rem3A_318, %ne3A_319 : i32
      %and3A_321 = arith.andi %ne3A_317, %ne3A_320 : i1
      %sub3A_322 = arith.constant 1 : i32
      %sub3A_323 = arith.subi %div3A_302, %sub3A_322 : i32
      %select_n3A_324 = arith.select %and3A_321, %sub3A_323, %div3A_302 : i32
      %jit3A_325 = arith.constant 8 : i32
      %eq3A_326 = arith.constant 0 : i32
      %eq3A_327 = arith.cmpi eq, %jit3A_325, %eq3A_326 : i32
      %jit3A_328 = arith.constant 1 : i32
      %select_n3A_329 = arith.select %eq3A_327, %jit3A_328, %jit3A_325 : i32
      %rem3A_330 = arith.remsi %add3A_300, %select_n3A_329 : i32
      %ne3A_331 = arith.constant 0 : i32
      %ne3A_332 = arith.cmpi ne, %rem3A_330, %ne3A_331 : i32
      %lt3A_333 = arith.constant 0 : i32
      %lt3A_334 = arith.cmpi slt, %rem3A_330, %lt3A_333 : i32
      %lt3A_335 = arith.constant 0 : i32
      %lt3A_336 = arith.cmpi slt, %select_n3A_329, %lt3A_335 : i32
      %ne3A_337 = arith.xori %lt3A_334, %lt3A_336 : i1
      %and3A_338 = arith.andi %ne3A_337, %ne3A_332 : i1
      %add3A_339 = arith.addi %rem3A_330, %select_n3A_329 : i32
      %select_n3A_340 = arith.select %and3A_338, %add3A_339, %rem3A_330 : i32
      %mul3A_341 = arith.constant 4 : i32
      %mul3A_342 = arith.muli %select_n3A_340, %mul3A_341 : i32
      %mul3A_343 = arith.constant 1024 : i32
      %mul3A_344 = arith.muli %mul3A_342, %mul3A_343 : i32
      %dma_start3A_345 = arith.constant 0 : i32
      %dma_start3A_346 = arith.constant 0 : i32
      %dma_start3A_347 = tpu.memref_slice %arg9[%dma_start3A_346] : memref<16384xf32, #tpu.memory_space<vmem>> -> memref<4096xf32, #tpu.memory_space<vmem>>
      %dma_start3A_348 = tpu.memref_slice %arg4[%select_n3A_324, %dma_start3A_345, %mul3A_344] : memref<200x4x32768xf32, #tpu.memory_space<hbm>> -> memref<1x1x4096xf32, #tpu.memory_space<hbm>>
      %dma_start3A_349 = tpu.memref_squeeze %dma_start3A_348 : memref<1x1x4096xf32, #tpu.memory_space<hbm>> -> memref<4096xf32, #tpu.memory_space<hbm>>
      %dma_start3A_350 = tpu.memref_slice %arg4[%select_n3A_324, %dma_start3A_345, %mul3A_344] : memref<200x4x32768xf32, #tpu.memory_space<hbm>> -> memref<1x1x4096xf32, #tpu.memory_space<hbm>>
      %dma_start3A_351 = tpu.memref_squeeze %dma_start3A_350 : memref<1x1x4096xf32, #tpu.memory_space<hbm>> -> memref<4096xf32, #tpu.memory_space<hbm>>
      %dma_start3A_352 = arith.constant 0 : i32
      %dma_start3A_353 = tpu.memref_slice %arg9[%dma_start3A_352] : memref<16384xf32, #tpu.memory_space<vmem>> -> memref<4096xf32, #tpu.memory_space<vmem>>
      tpu.enqueue_dma source(%dma_start3A_353 : memref<4096xf32, #tpu.memory_space<vmem>>) target(%dma_start3A_351 : memref<4096xf32, #tpu.memory_space<hbm>>) target_semaphore(%arg13 : memref<!tpu.dma_semaphore, #tpu.memory_space<semaphore_mem>>)
      %dma_start3A_354 = arith.constant 1 : i32
      %dma_start3A_355 = arith.constant 4096 : i32
      %dma_start3A_356 = tpu.memref_slice %arg9[%dma_start3A_355] : memref<16384xf32, #tpu.memory_space<vmem>> -> memref<4096xf32, #tpu.memory_space<vmem>>
      %dma_start3A_357 = tpu.memref_slice %arg4[%select_n3A_324, %dma_start3A_354, %mul3A_344] : memref<200x4x32768xf32, #tpu.memory_space<hbm>> -> memref<1x1x4096xf32, #tpu.memory_space<hbm>>
      %dma_start3A_358 = tpu.memref_squeeze %dma_start3A_357 : memref<1x1x4096xf32, #tpu.memory_space<hbm>> -> memref<4096xf32, #tpu.memory_space<hbm>>
      %dma_start3A_359 = tpu.memref_slice %arg4[%select_n3A_324, %dma_start3A_354, %mul3A_344] : memref<200x4x32768xf32, #tpu.memory_space<hbm>> -> memref<1x1x4096xf32, #tpu.memory_space<hbm>>
      %dma_start3A_360 = tpu.memref_squeeze %dma_start3A_359 : memref<1x1x4096xf32, #tpu.memory_space<hbm>> -> memref<4096xf32, #tpu.memory_space<hbm>>
      %dma_start3A_361 = arith.constant 4096 : i32
      %dma_start3A_362 = tpu.memref_slice %arg9[%dma_start3A_361] : memref<16384xf32, #tpu.memory_space<vmem>> -> memref<4096xf32, #tpu.memory_space<vmem>>
      tpu.enqueue_dma source(%dma_start3A_362 : memref<4096xf32, #tpu.memory_space<vmem>>) target(%dma_start3A_360 : memref<4096xf32, #tpu.memory_space<hbm>>) target_semaphore(%arg13 : memref<!tpu.dma_semaphore, #tpu.memory_space<semaphore_mem>>)
      %dma_start3A_363 = arith.constant 2 : i32
      %dma_start3A_364 = arith.constant 8192 : i32
      %dma_start3A_365 = tpu.memref_slice %arg9[%dma_start3A_364] : memref<16384xf32, #tpu.memory_space<vmem>> -> memref<4096xf32, #tpu.memory_space<vmem>>
      %dma_start3A_366 = tpu.memref_slice %arg4[%select_n3A_324, %dma_start3A_363, %mul3A_344] : memref<200x4x32768xf32, #tpu.memory_space<hbm>> -> memref<1x1x4096xf32, #tpu.memory_space<hbm>>
      %dma_start3A_367 = tpu.memref_squeeze %dma_start3A_366 : memref<1x1x4096xf32, #tpu.memory_space<hbm>> -> memref<4096xf32, #tpu.memory_space<hbm>>
      %dma_start3A_368 = tpu.memref_slice %arg4[%select_n3A_324, %dma_start3A_363, %mul3A_344] : memref<200x4x32768xf32, #tpu.memory_space<hbm>> -> memref<1x1x4096xf32, #tpu.memory_space<hbm>>
      %dma_start3A_369 = tpu.memref_squeeze %dma_start3A_368 : memref<1x1x4096xf32, #tpu.memory_space<hbm>> -> memref<4096xf32, #tpu.memory_space<hbm>>
      %dma_start3A_370 = arith.constant 8192 : i32
      %dma_start3A_371 = tpu.memref_slice %arg9[%dma_start3A_370] : memref<16384xf32, #tpu.memory_space<vmem>> -> memref<4096xf32, #tpu.memory_space<vmem>>
      tpu.enqueue_dma source(%dma_start3A_371 : memref<4096xf32, #tpu.memory_space<vmem>>) target(%dma_start3A_369 : memref<4096xf32, #tpu.memory_space<hbm>>) target_semaphore(%arg13 : memref<!tpu.dma_semaphore, #tpu.memory_space<semaphore_mem>>)
      %dma_start3A_372 = arith.constant 3 : i32
      %dma_start3A_373 = arith.constant 12288 : i32
      %dma_start3A_374 = tpu.memref_slice %arg9[%dma_start3A_373] : memref<16384xf32, #tpu.memory_space<vmem>> -> memref<4096xf32, #tpu.memory_space<vmem>>
      %dma_start3A_375 = tpu.memref_slice %arg4[%select_n3A_324, %dma_start3A_372, %mul3A_344] : memref<200x4x32768xf32, #tpu.memory_space<hbm>> -> memref<1x1x4096xf32, #tpu.memory_space<hbm>>
      %dma_start3A_376 = tpu.memref_squeeze %dma_start3A_375 : memref<1x1x4096xf32, #tpu.memory_space<hbm>> -> memref<4096xf32, #tpu.memory_space<hbm>>
      %dma_start3A_377 = tpu.memref_slice %arg4[%select_n3A_324, %dma_start3A_372, %mul3A_344] : memref<200x4x32768xf32, #tpu.memory_space<hbm>> -> memref<1x1x4096xf32, #tpu.memory_space<hbm>>
      %dma_start3A_378 = tpu.memref_squeeze %dma_start3A_377 : memref<1x1x4096xf32, #tpu.memory_space<hbm>> -> memref<4096xf32, #tpu.memory_space<hbm>>
      %dma_start3A_379 = arith.constant 12288 : i32
      %dma_start3A_380 = tpu.memref_slice %arg9[%dma_start3A_379] : memref<16384xf32, #tpu.memory_space<vmem>> -> memref<4096xf32, #tpu.memory_space<vmem>>
      tpu.enqueue_dma source(%dma_start3A_380 : memref<4096xf32, #tpu.memory_space<vmem>>) target(%dma_start3A_378 : memref<4096xf32, #tpu.memory_space<hbm>>) target_semaphore(%arg13 : memref<!tpu.dma_semaphore, #tpu.memory_space<semaphore_mem>>)
    }
    %scan3A_68 = arith.constant 25 : i32
    %dma_wait3A = arith.constant 48 : i32
    %dma_wait3A_69 = arith.constant 0 : i32
    %dma_wait3A_70 = tpu.memref_slice %arg5[%dma_wait3A, %dma_wait3A_69] : memref<50x512xi32, #tpu.memory_space<vmem>> -> memref<1x512xi32, #tpu.memory_space<vmem>>
    %dma_wait3A_71 = tpu.memref_squeeze %dma_wait3A_70 : memref<1x512xi32, #tpu.memory_space<vmem>> -> memref<512xi32, #tpu.memory_space<vmem>>
    %dma_wait3A_72 = arith.constant 0 : i32
    %dma_wait3A_73 = arith.constant 0 : i32
    %dma_wait3A_74 = tpu.memref_slice %arg3[%dma_wait3A_72, %dma_wait3A_73] : memref<1000000x32xf32, #tpu.memory_space<hbm>> -> memref<1000000x32xf32, #tpu.memory_space<hbm>>
    tpu.wait_indirect_dma semaphore(%arg10 : memref<!tpu.dma_semaphore, #tpu.memory_space<semaphore_mem>>) src(%dma_wait3A_74 : memref<1000000x32xf32, #tpu.memory_space<hbm>>) dst(%arg6 : memref<512x32xf32, #tpu.memory_space<vmem>>)
    %dma_wait3A_75 = arith.constant 0 : i32
    %dma_wait3A_76 = arith.constant 0 : i32
    %dma_wait3A_77 = arith.constant 0 : i32
    %dma_wait3A_78 = tpu.memref_slice %arg8[%dma_wait3A_77] : memref<16384xf32, #tpu.memory_space<vmem>> -> memref<4096xf32, #tpu.memory_space<vmem>>
    %dma_wait3A_79 = arith.constant 0 : i32
    %dma_wait3A_80 = tpu.memref_slice %arg4[%dma_wait3A_75, %dma_wait3A_76, %dma_wait3A_79] : memref<200x4x32768xf32, #tpu.memory_space<hbm>> -> memref<1x1x4096xf32, #tpu.memory_space<hbm>>
    %dma_wait3A_81 = tpu.memref_squeeze %dma_wait3A_80 : memref<1x1x4096xf32, #tpu.memory_space<hbm>> -> memref<4096xf32, #tpu.memory_space<hbm>>
    %dma_wait3A_82 = arith.constant 0 : i32
    %dma_wait3A_83 = tpu.memref_slice %arg4[%dma_wait3A_75, %dma_wait3A_76, %dma_wait3A_82] : memref<200x4x32768xf32, #tpu.memory_space<hbm>> -> memref<1x1x4096xf32, #tpu.memory_space<hbm>>
    %dma_wait3A_84 = tpu.memref_squeeze %dma_wait3A_83 : memref<1x1x4096xf32, #tpu.memory_space<hbm>> -> memref<4096xf32, #tpu.memory_space<hbm>>
    %dma_wait3A_85 = arith.constant 0 : i32
    %dma_wait3A_86 = tpu.memref_slice %arg8[%dma_wait3A_85] : memref<16384xf32, #tpu.memory_space<vmem>> -> memref<4096xf32, #tpu.memory_space<vmem>>
    tpu.wait_dma2 semaphore(%arg12 : memref<!tpu.dma_semaphore, #tpu.memory_space<semaphore_mem>>) src(%dma_wait3A_86 : memref<4096xf32, #tpu.memory_space<vmem>>) dst(%dma_wait3A_84 : memref<4096xf32, #tpu.memory_space<hbm>>)
    %dma_wait3A_87 = arith.constant 0 : i32
    %dma_wait3A_88 = arith.constant 1 : i32
    %dma_wait3A_89 = arith.constant 4096 : i32
    %dma_wait3A_90 = tpu.memref_slice %arg8[%dma_wait3A_89] : memref<16384xf32, #tpu.memory_space<vmem>> -> memref<4096xf32, #tpu.memory_space<vmem>>
    %dma_wait3A_91 = arith.constant 0 : i32
    %dma_wait3A_92 = tpu.memref_slice %arg4[%dma_wait3A_87, %dma_wait3A_88, %dma_wait3A_91] : memref<200x4x32768xf32, #tpu.memory_space<hbm>> -> memref<1x1x4096xf32, #tpu.memory_space<hbm>>
    %dma_wait3A_93 = tpu.memref_squeeze %dma_wait3A_92 : memref<1x1x4096xf32, #tpu.memory_space<hbm>> -> memref<4096xf32, #tpu.memory_space<hbm>>
    %dma_wait3A_94 = arith.constant 0 : i32
    %dma_wait3A_95 = tpu.memref_slice %arg4[%dma_wait3A_87, %dma_wait3A_88, %dma_wait3A_94] : memref<200x4x32768xf32, #tpu.memory_space<hbm>> -> memref<1x1x4096xf32, #tpu.memory_space<hbm>>
    %dma_wait3A_96 = tpu.memref_squeeze %dma_wait3A_95 : memref<1x1x4096xf32, #tpu.memory_space<hbm>> -> memref<4096xf32, #tpu.memory_space<hbm>>
    %dma_wait3A_97 = arith.constant 4096 : i32
    %dma_wait3A_98 = tpu.memref_slice %arg8[%dma_wait3A_97] : memref<16384xf32, #tpu.memory_space<vmem>> -> memref<4096xf32, #tpu.memory_space<vmem>>
    tpu.wait_dma2 semaphore(%arg12 : memref<!tpu.dma_semaphore, #tpu.memory_space<semaphore_mem>>) src(%dma_wait3A_98 : memref<4096xf32, #tpu.memory_space<vmem>>) dst(%dma_wait3A_96 : memref<4096xf32, #tpu.memory_space<hbm>>)
    %dma_wait3A_99 = arith.constant 0 : i32
    %dma_wait3A_100 = arith.constant 2 : i32
    %dma_wait3A_101 = arith.constant 8192 : i32
    %dma_wait3A_102 = tpu.memref_slice %arg8[%dma_wait3A_101] : memref<16384xf32, #tpu.memory_space<vmem>> -> memref<4096xf32, #tpu.memory_space<vmem>>
    %dma_wait3A_103 = arith.constant 0 : i32
    %dma_wait3A_104 = tpu.memref_slice %arg4[%dma_wait3A_99, %dma_wait3A_100, %dma_wait3A_103] : memref<200x4x32768xf32, #tpu.memory_space<hbm>> -> memref<1x1x4096xf32, #tpu.memory_space<hbm>>
    %dma_wait3A_105 = tpu.memref_squeeze %dma_wait3A_104 : memref<1x1x4096xf32, #tpu.memory_space<hbm>> -> memref<4096xf32, #tpu.memory_space<hbm>>
    %dma_wait3A_106 = arith.constant 0 : i32
    %dma_wait3A_107 = tpu.memref_slice %arg4[%dma_wait3A_99, %dma_wait3A_100, %dma_wait3A_106] : memref<200x4x32768xf32, #tpu.memory_space<hbm>> -> memref<1x1x4096xf32, #tpu.memory_space<hbm>>
    %dma_wait3A_108 = tpu.memref_squeeze %dma_wait3A_107 : memref<1x1x4096xf32, #tpu.memory_space<hbm>> -> memref<4096xf32, #tpu.memory_space<hbm>>
    %dma_wait3A_109 = arith.constant 8192 : i32
    %dma_wait3A_110 = tpu.memref_slice %arg8[%dma_wait3A_109] : memref<16384xf32, #tpu.memory_space<vmem>> -> memref<4096xf32, #tpu.memory_space<vmem>>
    tpu.wait_dma2 semaphore(%arg12 : memref<!tpu.dma_semaphore, #tpu.memory_space<semaphore_mem>>) src(%dma_wait3A_110 : memref<4096xf32, #tpu.memory_space<vmem>>) dst(%dma_wait3A_108 : memref<4096xf32, #tpu.memory_space<hbm>>)
    %dma_wait3A_111 = arith.constant 0 : i32
    %dma_wait3A_112 = arith.constant 3 : i32
    %dma_wait3A_113 = arith.constant 12288 : i32
    %dma_wait3A_114 = tpu.memref_slice %arg8[%dma_wait3A_113] : memref<16384xf32, #tpu.memory_space<vmem>> -> memref<4096xf32, #tpu.memory_space<vmem>>
    %dma_wait3A_115 = arith.constant 0 : i32
    %dma_wait3A_116 = tpu.memref_slice %arg4[%dma_wait3A_111, %dma_wait3A_112, %dma_wait3A_115] : memref<200x4x32768xf32, #tpu.memory_space<hbm>> -> memref<1x1x4096xf32, #tpu.memory_space<hbm>>
    %dma_wait3A_117 = tpu.memref_squeeze %dma_wait3A_116 : memref<1x1x4096xf32, #tpu.memory_space<hbm>> -> memref<4096xf32, #tpu.memory_space<hbm>>
    %dma_wait3A_118 = arith.constant 0 : i32
    %dma_wait3A_119 = tpu.memref_slice %arg4[%dma_wait3A_111, %dma_wait3A_112, %dma_wait3A_118] : memref<200x4x32768xf32, #tpu.memory_space<hbm>> -> memref<1x1x4096xf32, #tpu.memory_space<hbm>>
    %dma_wait3A_120 = tpu.memref_squeeze %dma_wait3A_119 : memref<1x1x4096xf32, #tpu.memory_space<hbm>> -> memref<4096xf32, #tpu.memory_space<hbm>>
    %dma_wait3A_121 = arith.constant 12288 : i32
    %dma_wait3A_122 = tpu.memref_slice %arg8[%dma_wait3A_121] : memref<16384xf32, #tpu.memory_space<vmem>> -> memref<4096xf32, #tpu.memory_space<vmem>>
    tpu.wait_dma2 semaphore(%arg12 : memref<!tpu.dma_semaphore, #tpu.memory_space<semaphore_mem>>) src(%dma_wait3A_122 : memref<4096xf32, #tpu.memory_space<vmem>>) dst(%dma_wait3A_120 : memref<4096xf32, #tpu.memory_space<hbm>>)
    %dma_wait3A_123 = arith.constant 0 : i32
    %dma_wait3A_124 = arith.constant 0 : i32
    %dma_wait3A_125 = arith.constant 0 : i32
    %dma_wait3A_126 = tpu.memref_slice %arg9[%dma_wait3A_125] : memref<16384xf32, #tpu.memory_space<vmem>> -> memref<4096xf32, #tpu.memory_space<vmem>>
    %dma_wait3A_127 = arith.constant 0 : i32
    %dma_wait3A_128 = tpu.memref_slice %arg4[%dma_wait3A_123, %dma_wait3A_124, %dma_wait3A_127] : memref<200x4x32768xf32, #tpu.memory_space<hbm>> -> memref<1x1x4096xf32, #tpu.memory_space<hbm>>
    %dma_wait3A_129 = tpu.memref_squeeze %dma_wait3A_128 : memref<1x1x4096xf32, #tpu.memory_space<hbm>> -> memref<4096xf32, #tpu.memory_space<hbm>>
    %dma_wait3A_130 = arith.constant 0 : i32
    %dma_wait3A_131 = tpu.memref_slice %arg4[%dma_wait3A_123, %dma_wait3A_124, %dma_wait3A_130] : memref<200x4x32768xf32, #tpu.memory_space<hbm>> -> memref<1x1x4096xf32, #tpu.memory_space<hbm>>
    %dma_wait3A_132 = tpu.memref_squeeze %dma_wait3A_131 : memref<1x1x4096xf32, #tpu.memory_space<hbm>> -> memref<4096xf32, #tpu.memory_space<hbm>>
    %dma_wait3A_133 = arith.constant 0 : i32
    %dma_wait3A_134 = tpu.memref_slice %arg9[%dma_wait3A_133] : memref<16384xf32, #tpu.memory_space<vmem>> -> memref<4096xf32, #tpu.memory_space<vmem>>
    tpu.wait_dma2 semaphore(%arg13 : memref<!tpu.dma_semaphore, #tpu.memory_space<semaphore_mem>>) src(%dma_wait3A_134 : memref<4096xf32, #tpu.memory_space<vmem>>) dst(%dma_wait3A_132 : memref<4096xf32, #tpu.memory_space<hbm>>)
    %dma_wait3A_135 = arith.constant 0 : i32
    %dma_wait3A_136 = arith.constant 1 : i32
    %dma_wait3A_137 = arith.constant 4096 : i32
    %dma_wait3A_138 = tpu.memref_slice %arg9[%dma_wait3A_137] : memref<16384xf32, #tpu.memory_space<vmem>> -> memref<4096xf32, #tpu.memory_space<vmem>>
    %dma_wait3A_139 = arith.constant 0 : i32
    %dma_wait3A_140 = tpu.memref_slice %arg4[%dma_wait3A_135, %dma_wait3A_136, %dma_wait3A_139] : memref<200x4x32768xf32, #tpu.memory_space<hbm>> -> memref<1x1x4096xf32, #tpu.memory_space<hbm>>
    %dma_wait3A_141 = tpu.memref_squeeze %dma_wait3A_140 : memref<1x1x4096xf32, #tpu.memory_space<hbm>> -> memref<4096xf32, #tpu.memory_space<hbm>>
    %dma_wait3A_142 = arith.constant 0 : i32
    %dma_wait3A_143 = tpu.memref_slice %arg4[%dma_wait3A_135, %dma_wait3A_136, %dma_wait3A_142] : memref<200x4x32768xf32, #tpu.memory_space<hbm>> -> memref<1x1x4096xf32, #tpu.memory_space<hbm>>
    %dma_wait3A_144 = tpu.memref_squeeze %dma_wait3A_143 : memref<1x1x4096xf32, #tpu.memory_space<hbm>> -> memref<4096xf32, #tpu.memory_space<hbm>>
    %dma_wait3A_145 = arith.constant 4096 : i32
    %dma_wait3A_146 = tpu.memref_slice %arg9[%dma_wait3A_145] : memref<16384xf32, #tpu.memory_space<vmem>> -> memref<4096xf32, #tpu.memory_space<vmem>>
    tpu.wait_dma2 semaphore(%arg13 : memref<!tpu.dma_semaphore, #tpu.memory_space<semaphore_mem>>) src(%dma_wait3A_146 : memref<4096xf32, #tpu.memory_space<vmem>>) dst(%dma_wait3A_144 : memref<4096xf32, #tpu.memory_space<hbm>>)
    %dma_wait3A_147 = arith.constant 0 : i32
    %dma_wait3A_148 = arith.constant 2 : i32
    %dma_wait3A_149 = arith.constant 8192 : i32
    %dma_wait3A_150 = tpu.memref_slice %arg9[%dma_wait3A_149] : memref<16384xf32, #tpu.memory_space<vmem>> -> memref<4096xf32, #tpu.memory_space<vmem>>
    %dma_wait3A_151 = arith.constant 0 : i32
    %dma_wait3A_152 = tpu.memref_slice %arg4[%dma_wait3A_147, %dma_wait3A_148, %dma_wait3A_151] : memref<200x4x32768xf32, #tpu.memory_space<hbm>> -> memref<1x1x4096xf32, #tpu.memory_space<hbm>>
    %dma_wait3A_153 = tpu.memref_squeeze %dma_wait3A_152 : memref<1x1x4096xf32, #tpu.memory_space<hbm>> -> memref<4096xf32, #tpu.memory_space<hbm>>
    %dma_wait3A_154 = arith.constant 0 : i32
    %dma_wait3A_155 = tpu.memref_slice %arg4[%dma_wait3A_147, %dma_wait3A_148, %dma_wait3A_154] : memref<200x4x32768xf32, #tpu.memory_space<hbm>> -> memref<1x1x4096xf32, #tpu.memory_space<hbm>>
    %dma_wait3A_156 = tpu.memref_squeeze %dma_wait3A_155 : memref<1x1x4096xf32, #tpu.memory_space<hbm>> -> memref<4096xf32, #tpu.memory_space<hbm>>
    %dma_wait3A_157 = arith.constant 8192 : i32
    %dma_wait3A_158 = tpu.memref_slice %arg9[%dma_wait3A_157] : memref<16384xf32, #tpu.memory_space<vmem>> -> memref<4096xf32, #tpu.memory_space<vmem>>
    tpu.wait_dma2 semaphore(%arg13 : memref<!tpu.dma_semaphore, #tpu.memory_space<semaphore_mem>>) src(%dma_wait3A_158 : memref<4096xf32, #tpu.memory_space<vmem>>) dst(%dma_wait3A_156 : memref<4096xf32, #tpu.memory_space<hbm>>)
    %dma_wait3A_159 = arith.constant 0 : i32
    %dma_wait3A_160 = arith.constant 3 : i32
    %dma_wait3A_161 = arith.constant 12288 : i32
    %dma_wait3A_162 = tpu.memref_slice %arg9[%dma_wait3A_161] : memref<16384xf32, #tpu.memory_space<vmem>> -> memref<4096xf32, #tpu.memory_space<vmem>>
    %dma_wait3A_163 = arith.constant 0 : i32
    %dma_wait3A_164 = tpu.memref_slice %arg4[%dma_wait3A_159, %dma_wait3A_160, %dma_wait3A_163] : memref<200x4x32768xf32, #tpu.memory_space<hbm>> -> memref<1x1x4096xf32, #tpu.memory_space<hbm>>
    %dma_wait3A_165 = tpu.memref_squeeze %dma_wait3A_164 : memref<1x1x4096xf32, #tpu.memory_space<hbm>> -> memref<4096xf32, #tpu.memory_space<hbm>>
    %dma_wait3A_166 = arith.constant 0 : i32
    %dma_wait3A_167 = tpu.memref_slice %arg4[%dma_wait3A_159, %dma_wait3A_160, %dma_wait3A_166] : memref<200x4x32768xf32, #tpu.memory_space<hbm>> -> memref<1x1x4096xf32, #tpu.memory_space<hbm>>
    %dma_wait3A_168 = tpu.memref_squeeze %dma_wait3A_167 : memref<1x1x4096xf32, #tpu.memory_space<hbm>> -> memref<4096xf32, #tpu.memory_space<hbm>>
    %dma_wait3A_169 = arith.constant 12288 : i32
    %dma_wait3A_170 = tpu.memref_slice %arg9[%dma_wait3A_169] : memref<16384xf32, #tpu.memory_space<vmem>> -> memref<4096xf32, #tpu.memory_space<vmem>>
    tpu.wait_dma2 semaphore(%arg13 : memref<!tpu.dma_semaphore, #tpu.memory_space<semaphore_mem>>) src(%dma_wait3A_170 : memref<4096xf32, #tpu.memory_space<vmem>>) dst(%dma_wait3A_168 : memref<4096xf32, #tpu.memory_space<hbm>>)
    return
  }
}

</mosaic_0001>

<sc_bundles>
// kernel: _gather.3.cloned.1.call-start
scs
__scs_entry_jumppad:
0x0: {  	(pc) =	sbr.rel $0x88, $3  }
0x1: {  	(tag) =	ssettag $0x0;
	lr =	simm.s32 $0x1  }
0x2: {  	[smem:$0x3F9F] =	sst lr;
	_ =	strace $0xD0000000  }
0x3: {  	_ = 	snop  }
0x4: {  	_ = 	snop  }
0x5: {  	_ = 	snop  }
0x6: {  	_ = 	snop  }
0x7: {  	_ = 	snop  }
__scs_overlays_trampoline_lowered:
0x8: {  	[smem:$0x3FAE] =	sst s0  }
0x9: {  	[smem:$0x3FAF] =	sst s1  }
0xa: {  	[smem:$0x3FB0] =	sst s2  }
0xb: {  	[smem:$0x3FB1] =	sst s3  }
0xc: {  	[smem:$0x3FB2] =	sst s4  }
0xd: {  	[smem:$0x3FB3] =	sst s5  }
0xe: {  	[smem:$0x3FB4] =	sst s6  }
0xf: {  	[smem:$0x3FB5] =	sst s7  }
0x10: {  	[smem:$0x3FB6] =	sst s8  }
0x11: {  	[smem:$0x3FB7] =	sst s9;
	s0 =	simm.s32 @!p0 $0x0  }
0x12: {  	s1 =	sld [smem:$0x3F9D];
	s0 =	simm.s32 @p0 $0x1  }
0x13: {  	[smem:$0x3FB8] =	sst s0;
	s0 =	simm.s32 @!p1 $0x0  }
0x14: {  	s2 =	sld [smem:$0x3F9C];
	s0 =	simm.s32 @p1 $0x1  }
0x15: {  	[smem:$0x3FB9] =	sst s0;
	s0 =	simm.s32 @!p2 $0x0  }
0x16: {  	s3 =	sld [smem:$0x3FDB];
	s0 =	simm.s32 @p2 $0x1  }
0x17: {  	s4 =	simm.s32 $0x1BF5;
	[smem:$0x3FBB] =	sst s0  }
0x18: {  	s0 =	sld [smem:$0x3F9E];
	_ =	swait.ge [sflag:s4], $0x0  }
0x19: {  	s7 =	sld [smem:$0x3F9F]  }
0x1a: {  	s8 =	sadd.s32 $0xFFFFE003, lr  }
0x1b: {  	s9 =	sadd.s32 $0xFFFFFEF7, lr;
	s5 =	simm.s32 $0xFFFFFFFF;
	p2 =	slt.u32 s8, $0xFFFFF086  }
0x1c: {  	p1 =	slt.u32 s9, $0xF7A;
	s5 =	simm.s32 @!p2 $0x0  }
0x1d: {  	s5 =	simm.s32 @p1 $0x1;
	p0 =	seq.s32 s7, s2  }
0x1e: {  	s7 =	smul.u32 @!p0 $0xF7A, s2;
	p2 =	seq.s32 @!p0 s5, $0x0  }
0x1f: {  	s9 =	smul.u32 $0xF7A, s1;
	s8 =	simm.s32 @!p0 $0x1BF5;
	p2 =	por !p2, p0  }
0x20: {  	[sflag:s8] =	ssyncset.s32 @!p0 $0xFFFFF086;
	s6 =	sadd.s32 @!p0 s3, s7;
	s7 =	simm.s32 @!p0 $0x108  }
0x21: {  	s3 =	sadd.s32 s3, s9;
	s6 =	sadd.s32 @!p0 $0x88, s6;
	s7 =	simm.s32 @p2 $0x1082  }
0x22: {  	[simem:s7], [sflag:s8] =	dma.local @!p0 [hbm:s6], $0xF7A  }
0x23: {  	s9 =	sor.u32 $0xD0000000, s2;
	s6 =	simm.s32 $0x108;
	_ =	swait.ge @!p0 [sflag:s8], $0x0  }
0x24: {  	s3 =	sadd.s32 $0x88, s3;
	s6 =	simm.s32 @!p1 $0x1082;
	[sflag:s4] =	ssyncset.s32 $0xFFFFF086  }
0x25: {  	[simem:s6], [sflag:s4] =	dma.local [hbm:s3], $0xF7A  }
0x26: {  	[smem:$0x3F9F] =	sst s1;
	(tag) =	ssettag s2;
	_ =	strace s9  }
0x27: {  	s1 =	sld [smem:$0x3FAF]  }
0x28: {  	s2 =	sld [smem:$0x3FB0]  }
0x29: {  	s4 =	sld [smem:$0x3FB2]  }
0x2a: {  	p0 =	seq.s32 s5, $0x0;
	s5 =	sld [smem:$0x3FB3]  }
0x2b: {  	s6 =	sld [smem:$0x3FB4]  }
0x2c: {  	s7 =	sld [smem:$0x3FB5]  }
0x2d: {  	s3 =	simm.s32 $0x108;
	s8 =	sld [smem:$0x3FB6]  }
0x2e: {  	s3 =	simm.s32 @!p0 $0x1082;
	s9 =	sld [smem:$0x3FB7]  }
0x2f: {  	lr =	sadd.s32 s0, s3;
	s0 =	sld [smem:$0x3FAE]  }
0x30: {  	s3 =	sld [smem:$0x3FB1]  }
0x31: {  	[smem:$0x3FBA] =	sst s10  }
0x32: {  	s10 =	sld [smem:$0x3FB8];
	_ =	sdelay $0x3  }
0x33: {  	p0 =	seq.s32 s10, $0x1;
	s10 =	sld [smem:$0x3FBA];
	_ =	sdelay $0x3  }
0x34: {  	[smem:$0x3FBA] =	sst s10  }
0x35: {  	s10 =	sld [smem:$0x3FB9];
	_ =	sdelay $0x3  }
0x36: {  	p1 =	seq.s32 s10, $0x1;
	s10 =	sld [smem:$0x3FBA];
	_ =	sdelay $0x3  }
0x37: {  	[smem:$0x3FBA] =	sst s10  }
0x38: {  	s10 =	sld [smem:$0x3FBB]  }
0x39: {  	_ = 	snop;
	(pc) =	sbr.ind lr, $3  }
0x3a: {  	_ = 	snop  }
0x3b: {  	_ = 	snop  }
0x3c: {  	p2 =	seq.s32 s10, $0x1;
	s10 =	sld [smem:$0x3FBA]  }
0x3d: {  	_ =	shalt  }
0x3e: {  	_ =	shalt  }
0x3f: {  	_ =	shalt  }
0x40: {  	_ =	shalt  }
0x41: {  	_ =	shalt  }
0x42: {  	_ =	shalt  }
0x43: {  	_ =	shalt  }
0x44: {  	_ =	shalt  }
0x45: {  	_ =	shalt  }
0x46: {  	_ =	shalt  }
0x47: {  	_ =	shalt  }
0x48: {  	_ =	shalt  }
0x49: {  	_ =	shalt  }
0x4a: {  	_ =	shalt  }
0x4b: {  	_ =	shalt  }
0x4c: {  	_ =	shalt  }
0x4d: {  	_ =	shalt  }
0x4e: {  	_ =	shalt  }
0x4f: {  	_ =	shalt  }
0x50: {  	_ =	shalt  }
0x51: {  	_ =	shalt  }
0x52: {  	_ =	shalt  }
0x53: {  	_ =	shalt  }
0x54: {  	_ =	shalt  }
0x55: {  	_ =	shalt  }
0x56: {  	_ =	shalt  }
0x57: {  	_ =	shalt  }
0x58: {  	_ =	shalt  }
0x59: {  	_ =	shalt  }
0x5a: {  	_ =	shalt  }
0x5b: {  	_ =	shalt  }
0x5c: {  	_ =	shalt  }
0x5d: {  	_ =	shalt  }
0x5e: {  	_ =	shalt  }
0x5f: {  	_ =	shalt  }
0x60: {  	_ =	shalt  }
0x61: {  	_ =	shalt  }
0x62: {  	_ =	shalt  }
0x63: {  	_ =	shalt  }
0x64: {  	_ =	shalt  }
0x65: {  	_ =	shalt  }
0x66: {  	_ =	shalt  }
0x67: {  	_ =	shalt  }
0x68: {  	_ =	shalt  }
0x69: {  	_ =	shalt  }
0x6a: {  	_ =	shalt  }
0x6b: {  	_ =	shalt  }
0x6c: {  	_ =	shalt  }
0x6d: {  	_ =	shalt  }
0x6e: {  	_ =	shalt  }
0x6f: {  	_ =	shalt  }
0x70: {  	_ =	shalt  }
0x71: {  	_ =	shalt  }
0x72: {  	_ =	shalt  }
0x73: {  	_ =	shalt  }
0x74: {  	_ =	shalt  }
0x75: {  	_ =	shalt  }
0x76: {  	_ =	shalt  }
0x77: {  	_ =	shalt  }
0x78: {  	_ =	shalt  }
0x79: {  	_ =	shalt  }
0x7a: {  	_ =	shalt  }
0x7b: {  	_ =	shalt  }
0x7c: {  	_ =	shalt  }
0x7d: {  	_ =	shalt  }
0x7e: {  	_ =	shalt  }
0x7f: {  	_ =	shalt  }
0x80: {  	_ =	shalt  }
0x81: {  	_ =	shalt  }
0x82: {  	_ =	shalt  }
0x83: {  	_ =	shalt  }
0x84: {  	_ =	shalt  }
0x85: {  	_ =	shalt  }
0x86: {  	_ =	shalt  }
0x87: {  	_ =	shalt  }
.Lfunc_end0:
.L_simem_size_0:
called_computation_lowered:
.L_overlay_start_0:
0x88: {  	s2 =	sld [smem:$0x3FD9]  }
0x89: {  	s3 =	sld [smem:$0x3FFE];
	_ =	sdelay $0x1  }
0x8a: {  	s1 =	srdreg.scid  }
0x8b: {  	s0 =	sand.u32 $0x1, s1  }
0x8c: {  	s17 =	sshll.u32 s0, $0xA;
	s2 =	sadd.s32 s3, s2  }
0x8d: {  	s2 =	sadd.s32 s2, s17  }
0x8e: {  	[smem:$0x3FC6] =	sst s2  }
0x8f: {  	_ = 	snop  }
0x90: {  	s2 =	sld [smem:$0x3FD0];
	(tm) =	ssettm $0x1  }
0x91: {  	s18 =	sld [smem:$0x3FFB];
	_ =	sdelay $0x3  }
0x92: {  	_ =	strace s18  }
0x93: {  	s3 =	sld [smem:$0x3FFC];
	_ =	sdelay $0x3  }
0x94: {  	_ =	strace s3  }
0x95: {  	s3 =	sld [smem:$0x3FFD];
	_ =	sdelay $0x3  }
0x96: {  	_ =	strace s3  }
0x97: {  	_ =	strace $0x8FFFFFFF  }
0x98: {  	s19 =	sld [smem:$0x3FDB];
	_ =	sdelay $0x1  }
0x99: {  	s4 =	simm.s32 $_scs_section_size  }
0x9a: {  	s5 =	simm.s32 $_size__tile_overlayer_lowered;
	s6 =	simm.s32 $_tile_overlayer_lowered  }
0x9b: {  	s22 =	simm.s32 $0x1BFF;
	s21 =	sshll.u32 s6, $0x1;
	s3 =	sadd.s32 s4, s19  }
0x9c: {  	s7 =	simm.s32 $0x0;
	s20 =	sshll.u32 s5, $0x1;
	s5 =	sadd.s32 s21, s3  }
0x9d: {  	[timem:s7], [sflag:s22] =	dma.local [hbm:s5], s20  }
0x9e: {  	_ =	swait.ge [sflag:s22], s20  }
0x9f: {  	s4 =	ssub.s32 $0x0, s20;
	[sflag:s22] =	ssyncset.done $0x0  }
0xa0: {  	[sflag:s22] =	ssyncadd.s32 s4;
	_ =	sdelay $0x1  }
0xa1: {  	s23 =	simm.s32 $0x1B8B  }
0xa2: {  	_ =	swait.ge [sflag:s23], $0x1  }
0xa3: {  	[sflag:s23] =	ssyncset.done $0x0  }
0xa4: {  	s25 =	simm.s32 $0x1B8E;
	s24 =	sld [smem:$0x3FFE];
	[sflag:s23] =	ssyncadd.s32 $0xFFFFFFFF  }
0xa5: {  	s26 =	simm.s32 $execute0_lowered;
	[smem:$0x3FD2] =	sst s25  }
0xa6: {  	s5 =	sshll.u32 s26, $0x1;
	_ =	strace $0x80000046;
	[dreg:$0x1] =	wrdreg $0xFFFFFFFF  }
0xa7: {  	s28 =	simm.s32 $_size_execute0_lowered;
	s3 =	sadd.s32 s3, s5;
	[dreg:$0x0] =	wrdreg $0x0  }
0xa8: {  	s5 =	sshll.u32 s28, $0x1;
	[dreg:$0x2] =	wrdreg s3  }
0xa9: {  	[dreg:$0x3] =	wrdreg s5  }
0xaa: {  	[dreg:$0x4] =	wrdreg $0xC0  }
0xab: {  	_ =	task [dreg:s7], $0x5FFFF  }
0xac: {  	[dreg:$0x1] =	wrdreg $0xFFFFFFFF  }
0xad: {  	[dreg:$0x0] =	wrdreg $0x60  }
0xae: {  	[dreg:$0x2] =	wrdreg s2  }
0xaf: {  	[dreg:$0x3] =	wrdreg s24  }
0xb0: {  	[dreg:$0x4] =	wrdreg $0x9  }
0xb1: {  	_ =	task.clear_ibuf [dreg:s7], $0x5FFFF;
	_ =	strace $0x90000046  }
0xb2: {  	s29 =	simm.s32 $0x9;
	_ =	strace $0x80000048  }
0xb3: {  	_ =	swait.ge [sflag:s29], $0x1  }
0xb4: {  	[sflag:s29] =	ssyncadd.s32 $0xFFFFFFFF  }
0xb5: {  	_ =	strace $0x90000048  }
0xb6: {  	_ =	sfence  }
0xb7: {  	s30 =	sld [smem:$0x0];
	_ =	sdelay $0x2  }
0xb8: {  	s31 =	sshll.u32 s1, $0xD;
	s1 =	sshrl.u32 s1, $0x2  }
0xb9: {  	s3 =	sand.u32 $0x4000, s31;
	s1 =	sadd.s32 s1, s30  }
0xba: {  	s0 =	sor.u32 s3, s0;
	s1 =	sshll.u32 s1, $0x11  }
0xbb: {  	s0 =	sor.u32 s1, s0  }
0xbc: {  	s0 =	sadd.s32 $0x8F2B, s0  }
0xbd: {  	[sflag:s0] =	ssyncadd.remote.s32 $0x1  }
0xbe: {  	_ =	sfence.sel $0xFFFF  }
0xbf: {  	[dreg:$0x0] =	wrdreg $0xFFFFFFFF;
	(pc) =	sbr.abs _section_cstart, $3  }
0xc0: {  	[dreg:$0x1] =	wrdreg $0xFFFFFFFF  }
0xc1: {  	_ =	task.clear_ibuf [dreg:s7], $0x2FFFF;
	_ =	strace $0x9FFFFFFF  }
0xc2: {  	(tm) =	ssettm $0x7FFFFFFF  }
0xc3: {  	_ =	shalt  }
tec
execute0_lowered:
.L_overlay_start_1:
0x0: {  	(tag) =	ssettag $0x1  }
0x1: {  	v0 =	vimm.s32 $0x1380;
	vm0 =	vcmask $0x300;
	v1 =	vimm.s32 $0x3380  }
0x2: {  	vm1 =	vcmask $0x704;
	v0 =	vsel vm0, $0x0, v0;
	v1 =	vsel vm0, $0x2000, v1  }
0x3: {  	vm15 =	vcmask $0xB08;
	v0 =	vsel vm1, $0x80, v0;
	v1 =	vsel vm1, $0x2080, v1  }
0x4: {  	vm4 =	vcmask $0xF0C;
	v0 =	vsel vm15, $0x100, v0;
	v1 =	vsel vm15, $0x2100, v1  }
0x5: {  	s0 =	rddreg [dreg:$0x0];
	vm5 =	vcmask $0x1310;
	v0 =	vsel vm4, $0x180, v0;
	v1 =	vsel vm4, $0x2180, v1  }
0x6: {  	s1 =	rddreg [dreg:$0x1];
	s3 =	srdreg.scid;
	vm6 =	vcmask $0x1714;
	v0 =	vsel vm5, $0x200, v0;
	v1 =	vsel vm5, $0x2200, v1  }
0x7: {  	s4 =	stileid.u32;
	s2 =	simm.s32 $0x0;
	vm7 =	vcmask $0x1B18;
	s12 =	simm.s32 $0x200;
	v0 =	vsel vm6, $0x280, v0;
	v1 =	vsel vm6, $0x2280, v1  }
0x8: {  	vm8 =	vcmask $0x1F1C;
	s15 =	simm.s32 $0x1;
	s16 =	simm.s32 $0xE400;
	s20 =	simm.s32 $0x2;
	v0 =	vsel vm7, $0x300, v0;
	v1 =	vsel vm7, $0x2300, v1  }
0x9: {  	vm9 =	vcmask $0x2320;
	s21 =	simm.s32 $0x12400;
	s22 =	simm.s32 $0x13400;
	s23 =	simm.s32 $0x14400;
	v0 =	vsel vm8, $0x380, v0;
	v1 =	vsel vm8, $0x2380, v1  }
0xa: {  	vm10 =	vcmask $0x2724;
	s24 =	simm.s32 $0x15400;
	s3 =	sand.u32 $0x1, s3;
	s4 =	sshll.u32 s4, $0x1;
	v0 =	vsel vm9, $0x1000, v0;
	v1 =	vsel vm9, $0x3000, v1  }
0xb: {  	vm11 =	vcmask $0x2B28;
	[smem:$0x7FF] =	sst s2;
	s9 =	sadd.s32 $0x3600, s1;
	s5 =	sor.u32 s3, s4;
	v0 =	vsel vm10, $0x1080, v0;
	v1 =	vsel vm10, $0x3080, v1  }
0xc: {  	vm12 =	vcmask $0x2F2C;
	_ =	strace $0x80000047;
	s6 =	ssub.s32 $0x2, s3;
	s7 =	smul.u32 $0xC80, s5;
	v0 =	vsel vm11, $0x1100, v0;
	v1 =	vsel vm11, $0x3100, v1  }
0xd: {  	vm13 =	vcmask $0x3330;
	s3 =	sadd.s32 $0xF42A00, s1;
	s4 =	sadd.s32 $0x600, s1;
	s8 =	sshrl.u32 s6, $0x1;
	v0 =	vsel vm12, $0x1180, v0;
	v1 =	vsel vm12, $0x3180, v1  }
0xe: {  	vm14 =	vcmask $0x3734;
	s5 =	smul.u32 $0x32, s5;
	s6 =	ssub.s32 s6, s8;
	s0 =	sadd.s32 s0, s7;
	v0 =	vsel vm13, $0x1200, v0;
	v1 =	vsel vm13, $0x3200, v1  }
0xf: {  	vm15 =	vcmask $0x3B38;
	s8 =	sadd.s32 $0x2600, s1;
	s31 =	smax.u32 s6, $0x1;
	[dreg:$0x3] =	wrdreg s0;
	v0 =	vsel vm14, $0x1280, v0;
	v1 =	vsel vm14, $0x3280, v1  }
0x10: {  	s7 =	sadd.s32 $0x1600, s1;
	s6 =	simm.s32 $0x0;
	[dreg:$0x4] =	wrdreg s31;
	v0 =	vsel vm15, $0x1300, v0;
	v1 =	vsel vm15, $0x3300, v1  }
.LBB2_1:
0x11: {  	[dreg:$0x5] =	wrdreg s6  }
0x12: {  	s0 =	rddreg [dreg:$0x3];
	s30 =	simm.s32 $0x5  }
0x13: {  	[tilespmem:s2], [sflag:$0x5] =	stream.linear.gather [hbm4b:s0+s2], $0x6400, $0x38;
	[tilespmem:$0x16400] =	vst v63  }
0x14: {  	_ =	swait.ge [sflag:s30], $0x6400  }
0x15: {  	[sflag:s30] =	ssyncset.done $0x0  }
0x16: {  	s31 =	simm.s32 $0x6400;
	s29 =	simm.s32 $0x0;
	[sflag:s30] =	ssyncadd.s32 $0xFFFF9C00  }
0x17: {  	[tilespmem:s31], [sflag:$0x1] =	stream.indirect.gather [hbm4b:s3+s12], $0x20, s2, s12, $0xb8;
	[tilespmem:$0x16400] =	vst v63  }
.LBB2_2:
0x18: {  	s30 =	sshllo.u32 s29, $0x1  }
0x19: {  	s0 =	sshll.u32 s30, $0x9  }
0x1a: {  	s1 =	simm.s32 $0xA400;
	s0 =	sand.u32 $0x3FFFFE00, s0  }
0x1b: {  	[tilespmem:s1], [sflag:$0x2] =	stream.indirect.gather [hbm4b:s3+s12], $0x20, s0, s12, $0xb8;
	[tilespmem:$0x16400] =	vst v63  }
0x1c: {  	_ =	swait.ge [sflag:s15], $0x4000  }
0x1d: {  	p0 =	seq.s32 s29, $0x0;
	[sflag:s15] =	ssyncset.done $0x0  }
0x1e: {  	s0 =	simm.s32 @!p0 $0x3;
	[sflag:s15] =	ssyncadd.s32 $0xFFFFC000  }
0x1f: {  	_ =	swait.ge @!p0 [sflag:s0], $0x1000  }
0x20: {  	[sflag:s0] =	ssyncset.done @!p0 $0x0  }
0x21: {  	[sflag:s0] =	ssyncadd.s32 @!p0 $0xFFFFF000  }
0x22: {  	_ =	swait.ge @!p0 [sflag:s0], $0x1000  }
0x23: {  	[sflag:s0] =	ssyncset.done @!p0 $0x0  }
0x24: {  	[sflag:s0] =	ssyncadd.s32 @!p0 $0xFFFFF000  }
0x25: {  	_ =	swait.ge @!p0 [sflag:s0], $0x1000  }
0x26: {  	[sflag:s0] =	ssyncset.done @!p0 $0x0  }
0x27: {  	[sflag:s0] =	ssyncadd.s32 @!p0 $0xFFFFF000  }
0x28: {  	_ =	swait.ge @!p0 [sflag:s0], $0x1000  }
0x29: {  	s18 =	simm.s32 $0x0;
	[sflag:s0] =	ssyncset.done @!p0 $0x0  }
0x2a: {  	s6 =	simm.s32 $0x6480;
	s31 =	simm.s32 $0x0;
	[sflag:s0] =	ssyncadd.s32 @!p0 $0xFFFFF000  }
0x2b: {  	s19 =	simm.s32 $0x3;
	s11 =	sand.u32 $0xC00, s18;
	s25 =	sand.u32 $0x78, s31;
	v3 =	vld [tilespmem:s6+$0xFFFFFF80]  }
0x2c: {  	s10 =	simm.s32 $0x4;
	s1 =	sand.u32 $0x7B, s19;
	s0 =	sor.u32 s25, s11;
	v7 =	vld [tilespmem:s6+$0xFFFFFFA0]  }
0x2d: {  	s14 =	simm.s32 $0x1;
	s10 =	sand.u32 $0x7C, s10;
	s1 =	sor.u32 s1, s11;
	v4 =	vor.u32 s0, v0;
	v2 =	vld [tilespmem:s6+$0x40]  }
0x2e: {  	s14 =	sand.u32 $0x79, s14;
	s17 =	sor.u32 s10, s11;
	v5 =	vor.u32 s1, v0;
	s25 =	simm.s32 $0x5;
	v8 =	vld [tilespmem:s6+$0xFFFFFFE0]  }
0x2f: {  	s13 =	simm.s32 $0x2;
	s14 =	sor.u32 s14, s11;
	v9 =	vor.u32 s17, v0;
	s26 =	sand.u32 $0x7D, s25;
	v10 =	vld [tilespmem:s6+$0x0]  }
0x30: {  	s18 =	sand.u32 $0x7A, s13;
	v11 =	vor.u32 s14, v0;
	v6 =	vld [tilespmem:s6+$0x60];
	s28 =	sor.u32 s26, s11  }
0x31: {  	s10 =	sor.u32 s18, s11;
	v16 =	vld [tilespmem:s6+$0x20];
	s26 =	simm.s32 $0x7;
	v15 =	vor.u32 s28, v0  }
0x32: {  	v17 =	vor.u32 s10, v0;
	v18 =	vld [tilespmem:s6+$0xFFFFFFC0];
	s18 =	sand.u32 $0x7F, s26;
	[tilespmem:v4+s16+$0x0] =	vst.idx.msk $0xffff, v3  }
0x33: {  	s19 =	simm.s32 $0x6;
	[tilespmem:v5+s16+$0x0] =	vst.idx.msk $0xffff, v8;
	v4 =	vor.u32 s28, v1;
	s28 =	sor.u32 s18, s11;
	v3 =	vld [tilespmem:s6+$0xFFFFFF90]  }
0x34: {  	s25 =	sand.u32 $0x7E, s19;
	[tilespmem:v9+s16+$0x0] =	vst.idx.msk $0xffff, v10;
	v12 =	vld [tilespmem:s6+$0xFFFFFFF0];
	v14 =	vor.u32 s28, v0  }
0x35: {  	v13 =	vor.u32 s1, v1;
	s26 =	sor.u32 s25, s11;
	[tilespmem:v11+s16+$0x0] =	vst.idx.msk $0xffff, v7;
	v9 =	vld [tilespmem:s6+$0x10]  }
0x36: {  	v5 =	vor.u32 s26, v0;
	v7 =	vld [tilespmem:s6+$0xFFFFFFB0];
	[tilespmem:v15+s16+$0x0] =	vst.idx.msk $0xffff, v16  }
0x37: {  	s1 =	sshll.u32 s29, $0x1;
	s25 =	simm.s32 $0x6580;
	v11 =	vor.u32 s17, v1;
	v10 =	vor.u32 s14, v1;
	[tilespmem:v17+s16+$0x0] =	vst.idx.msk $0xffff, v18;
	s11 =	simm.s32 $0x40;
	v8 =	vld [tilespmem:s6+$0x30]  }
.LBB2_3:
0x38: {  	s14 =	sadd.s32 $0x9, s31  }
0x39: {  	s17 =	sadd.s32 $0xB, s31;
	v15 =	vld [tilespmem:s6+$0xFFFFFFD0];
	[tilespmem:v14+s16+$0x0] =	vst.idx.msk $0xffff, v6;
	s18 =	smov.u32 s31;
	s31 =	sadd.s32 $0x8, s31  }
0x3a: {  	s19 =	sand.u32 $0xC00, s11;
	v6 =	vor.u32 s28, v1;
	s17 =	sand.u32 $0x7B, s17;
	s13 =	sadd.s32 $0xC, s18;
	[tilespmem:v13+s16+$0x0] =	vst.idx.msk $0xffff, v12;
	v12 =	vld [tilespmem:s6+$0x70]  }
0x3b: {  	v14 =	vor.u32 s0, v1;
	v16 =	vor.u32 s26, v1;
	s14 =	sand.u32 $0x79, s14;
	s28 =	sadd.s32 $0xE, s18;
	v13 =	vld [tilespmem:s25+$0xFFFFFF80];
	s17 =	sor.u32 s17, s19;
	[tilespmem:v5+s16+$0x0] =	vst.idx.msk $0xffff, v2  }
0x3c: {  	v18 =	vor.u32 s10, v1;
	s0 =	sand.u32 $0x78, s31;
	s26 =	sadd.s32 $0xD, s18;
	s14 =	sor.u32 s14, s19;
	v17 =	vor.u32 s17, v0;
	[tilespmem:v11+s16+$0x0] =	vst.idx.msk $0xffff, v9;
	v9 =	vld [tilespmem:s6+$0x50]  }
0x3d: {  	s10 =	sadd.s32 $0xF, s18;
	s0 =	sor.u32 s0, s19;
	v11 =	vor.u32 s14, v0;
	s6 =	sand.u32 $0x7D, s26;
	v19 =	vld [tilespmem:s25+$0xFFFFFFA0];
	[tilespmem:v10+s16+$0x0] =	vst.idx.msk $0xffff, v7  }
0x3e: {  	s13 =	sand.u32 $0x7C, s13;
	s10 =	sand.u32 $0x7F, s10;
	s26 =	sand.u32 $0x7E, s28;
	v7 =	vor.u32 s0, v0;
	v2 =	vld [tilespmem:s25+$0x40];
	[tilespmem:v4+s16+$0x0] =	vst.idx.msk $0xffff, v8  }
0x3f: {  	s13 =	sor.u32 s13, s19;
	s6 =	sor.u32 s6, s19;
	s26 =	sor.u32 s26, s19;
	v8 =	vld [tilespmem:s25+$0xFFFFFFE0];
	[tilespmem:v6+s16+$0x0] =	vst.idx.msk $0xffff, v12  }
0x40: {  	s18 =	sadd.s32 $0xA, s18;
	p1 =	slt.u32 s31, $0x1F8;
	s28 =	sor.u32 s10, s19;
	v10 =	vor.u32 s13, v0;
	v21 =	vor.u32 s6, v0;
	v4 =	vor.u32 s6, v1;
	v20 =	vld [tilespmem:s25+$0x0];
	[tilespmem:v14+s16+$0x0] =	vst.idx.msk $0xffff, v3  }
0x41: {  	s10 =	sand.u32 $0x7A, s18;
	v5 =	vor.u32 s26, v0;
	s6 =	smov.u32 s25;
	v6 =	vld [tilespmem:s25+$0x60];
	[tilespmem:v16+s16+$0x0] =	vst.idx.msk $0xffff, v9  }
0x42: {  	s10 =	sor.u32 s10, s19;
	v16 =	vld [tilespmem:s25+$0x20];
	[tilespmem:v18+s16+$0x0] =	vst.idx.msk $0xffff, v15  }
0x43: {  	v15 =	vor.u32 s10, v0;
	[tilespmem:v7+s16+$0x0] =	vst.idx.msk $0xffff, v13;
	v18 =	vld [tilespmem:s25+$0xFFFFFFC0]  }
.Ltmp0:
0x44: {  	v14 =	vor.u32 s28, v0;
	v3 =	vld [tilespmem:s25+$0xFFFFFF90];
	[tilespmem:v17+s16+$0x0] =	vst.idx.msk $0xffff, v8;
	(pc) =	sbr.rel @p1 .LBB2_3-.Ltmp0, $4  }
0x45: {  	v13 =	vor.u32 s17, v1;
	v12 =	vld [tilespmem:s25+$0xFFFFFFF0];
	[tilespmem:v10+s16+$0x0] =	vst.idx.msk $0xffff, v20  }
0x46: {  	[tilespmem:v11+s16+$0x0] =	vst.idx.msk $0xffff, v19;
	v9 =	vld [tilespmem:s25+$0x10]  }
0x47: {  	v11 =	vor.u32 s13, v1;
	v7 =	vld [tilespmem:s25+$0xFFFFFFB0];
	[tilespmem:v21+s16+$0x0] =	vst.idx.msk $0xffff, v16  }
0x48: {  	s11 =	sadd.s32 $0x40, s11;
	v10 =	vor.u32 s14, v1;
	s25 =	sadd.s32 $0x100, s25;
	[tilespmem:v15+s16+$0x0] =	vst.idx.msk $0xffff, v18;
	v8 =	vld [tilespmem:s6+$0x30]  }
0x49: {  	_ =	sdelay $0x3  }
0x4a: {  	[tilespmem:v14+s16+$0x0] =	vst.idx.msk $0xffff, v6  }
0x4b: {  	v6 =	vor.u32 s28, v1;
	[tilespmem:v13+s16+$0x0] =	vst.idx.msk $0xffff, v12;
	v12 =	vld [tilespmem:s6+$0x70]  }
0x4c: {  	[tilespmem:v5+s16+$0x0] =	vst.idx.msk $0xffff, v2;
	v13 =	vor.u32 s0, v1  }
0x4d: {  	v2 =	vor.u32 s26, v1;
	v5 =	vld [tilespmem:s6+$0x50];
	[tilespmem:v11+s16+$0x0] =	vst.idx.msk $0xffff, v9  }
0x4e: {  	v9 =	vld [tilespmem:s6+$0xFFFFFFD0];
	v11 =	vor.u32 s10, v1;
	[tilespmem:v10+s16+$0x0] =	vst.idx.msk $0xffff, v7  }
0x4f: {  	s14 =	sadd.s32 s5, s1;
	[tilespmem:v4+s16+$0x0] =	vst.idx.msk $0xffff, v8  }
0x50: {  	s17 =	sshll.u32 s14, $0x9;
	s0 =	sshll.u32 s14, $0xB;
	[tilespmem:v6+s16+$0x0] =	vst.idx.msk $0xffff, v12  }
0x51: {  	s6 =	sand.u32 $0xC00, s17;
	s0 =	sand.u32 $0xFFFC000, s0;
	[tilespmem:v13+s16+$0x0] =	vst.idx.msk $0xffff, v3  }
0x52: {  	s0 =	sor.u32 s6, s0;
	[tilespmem:v2+s16+$0x0] =	vst.idx.msk $0xffff, v5  }
0x53: {  	s6 =	sadd.s32 s4, s0;
	[tilespmem:v11+s16+$0x0] =	vst.idx.msk $0xffff, v9  }
0x54: {  	[hbm4b:s6+s2] =	stream.linear.scatter [tilespmem:s16], [sflag:$0x3], $0x1000, $0x38;
	[tilespmem:$0x16400] =	vst v63  }
0x55: {  	s19 =	simm.s32 $0xF400;
	s18 =	sadd.s32 s0, s7  }
0x56: {  	[hbm4b:s18+s2] =	stream.linear.scatter [tilespmem:s19], [sflag:$0x3], $0x1000, $0x38;
	[tilespmem:$0x16400] =	vst v63  }
0x57: {  	s26 =	simm.s32 $0x10400;
	s25 =	sadd.s32 s0, s8  }
0x58: {  	[hbm4b:s25+s2] =	stream.linear.scatter [tilespmem:s26], [sflag:$0x3], $0x1000, $0x38;
	[tilespmem:$0x16400] =	vst v63  }
0x59: {  	s28 =	simm.s32 $0x11400;
	s10 =	smin.u32 s1, $0x2E;
	s0 =	sadd.s32 s0, s9  }
0x5a: {  	[hbm4b:s0+s2] =	stream.linear.scatter [tilespmem:s28], [sflag:$0x3], $0x1000, $0x38;
	[tilespmem:$0x16400] =	vst v63  }
0x5b: {  	s0 =	sshll.u32 s10, $0x9  }
0x5c: {  	s11 =	simm.s32 $0x6400;
	s0 =	sadd.s32 $0x400, s0  }
0x5d: {  	[tilespmem:s11], [sflag:$0x1] =	stream.indirect.gather [hbm4b:s3+s12], $0x20, s0, s12, $0xb8;
	[tilespmem:$0x16400] =	vst v63  }
0x5e: {  	_ =	swait.ge [sflag:s20], $0x4000  }
0x5f: {  	[sflag:s20] =	ssyncset.done $0x0  }
0x60: {  	s0 =	simm.s32 @!p0 $0x4;
	[sflag:s20] =	ssyncadd.s32 $0xFFFFC000  }
0x61: {  	_ =	swait.ge @!p0 [sflag:s0], $0x1000  }
0x62: {  	[sflag:s0] =	ssyncset.done @!p0 $0x0  }
0x63: {  	[sflag:s0] =	ssyncadd.s32 @!p0 $0xFFFFF000  }
0x64: {  	_ =	swait.ge @!p0 [sflag:s0], $0x1000  }
0x65: {  	[sflag:s0] =	ssyncset.done @!p0 $0x0  }
0x66: {  	[sflag:s0] =	ssyncadd.s32 @!p0 $0xFFFFF000  }
0x67: {  	_ =	swait.ge @!p0 [sflag:s0], $0x1000  }
0x68: {  	[sflag:s0] =	ssyncset.done @!p0 $0x0  }
0x69: {  	[sflag:s0] =	ssyncadd.s32 @!p0 $0xFFFFF000  }
0x6a: {  	_ =	swait.ge @!p0 [sflag:s0], $0x1000  }
0x6b: {  	s13 =	simm.s32 $0x0;
	[sflag:s0] =	ssyncset.done @!p0 $0x0  }
0x6c: {  	s31 =	simm.s32 $0x0;
	s1 =	simm.s32 $0xA480;
	[sflag:s0] =	ssyncadd.s32 @!p0 $0xFFFFF000  }
0x6d: {  	s14 =	simm.s32 $0x3;
	s17 =	sand.u32 $0x78, s31;
	s11 =	sand.u32 $0xC00, s13;
	v3 =	vld [tilespmem:s1+$0xFFFFFF80]  }
0x6e: {  	s6 =	sand.u32 $0x7B, s14;
	s18 =	simm.s32 $0x4;
	s0 =	sor.u32 s17, s11;
	v7 =	vld [tilespmem:s1+$0xFFFFFFA0]  }
0x6f: {  	s10 =	sand.u32 $0x7C, s18;
	s13 =	simm.s32 $0x1;
	s6 =	sor.u32 s6, s11;
	v4 =	vor.u32 s0, v0;
	v2 =	vld [tilespmem:s1+$0x40]  }
0x70: {  	s14 =	simm.s32 $0x5;
	s13 =	sand.u32 $0x79, s13;
	v5 =	vor.u32 s6, v0;
	s17 =	sor.u32 s10, s11;
	v8 =	vld [tilespmem:s1+$0xFFFFFFE0]  }
0x71: {  	s19 =	sand.u32 $0x7D, s14;
	s25 =	simm.s32 $0x2;
	s13 =	sor.u32 s13, s11;
	v9 =	vor.u32 s17, v0;
	v10 =	vld [tilespmem:s1+$0x0]  }
0x72: {  	s26 =	sand.u32 $0x7A, s25;
	s18 =	sor.u32 s19, s11;
	v11 =	vor.u32 s13, v0;
	v6 =	vld [tilespmem:s1+$0x60]  }
0x73: {  	s19 =	simm.s32 $0x7;
	v15 =	vor.u32 s18, v0;
	s10 =	sor.u32 s26, s11;
	v16 =	vld [tilespmem:s1+$0x20]  }
0x74: {  	s19 =	sand.u32 $0x7F, s19;
	v17 =	vor.u32 s10, v0;
	v18 =	vld [tilespmem:s1+$0xFFFFFFC0];
	[tilespmem:v4+s21+$0x0] =	vst.idx.msk $0xffff, v3  }
0x75: {  	s28 =	simm.s32 $0x6;
	s26 =	sor.u32 s19, s11;
	[tilespmem:v5+s21+$0x0] =	vst.idx.msk $0xffff, v8;
	v3 =	vld [tilespmem:s1+$0xFFFFFF90]  }
0x76: {  	s14 =	sand.u32 $0x7E, s28;
	v14 =	vor.u32 s26, v0;
	[tilespmem:v9+s21+$0x0] =	vst.idx.msk $0xffff, v10;
	v12 =	vld [tilespmem:s1+$0xFFFFFFF0]  }
0x77: {  	s25 =	sor.u32 s14, s11;
	v13 =	vor.u32 s6, v1;
	[tilespmem:v11+s21+$0x0] =	vst.idx.msk $0xffff, v7;
	v9 =	vld [tilespmem:s1+$0x10]  }
0x78: {  	v4 =	vor.u32 s18, v1;
	v5 =	vor.u32 s25, v0;
	[tilespmem:v15+s21+$0x0] =	vst.idx.msk $0xffff, v16;
	v7 =	vld [tilespmem:s1+$0xFFFFFFB0]  }
0x79: {  	s6 =	simm.s32 $0x40;
	s11 =	simm.s32 $0xA580;
	v11 =	vor.u32 s17, v1;
	v10 =	vor.u32 s13, v1;
	[tilespmem:v17+s21+$0x0] =	vst.idx.msk $0xffff, v18;
	v8 =	vld [tilespmem:s1+$0x30]  }
.LBB2_5:
0x7a: {  	s13 =	sadd.s32 $0x9, s31  }
0x7b: {  	s14 =	sadd.s32 $0xB, s31;
	v15 =	vld [tilespmem:s1+$0xFFFFFFD0];
	[tilespmem:v14+s21+$0x0] =	vst.idx.msk $0xffff, v6;
	s17 =	smov.u32 s31;
	s31 =	sadd.s32 $0x8, s31  }
0x7c: {  	s18 =	sand.u32 $0xC00, s6;
	v6 =	vor.u32 s26, v1;
	s14 =	sand.u32 $0x7B, s14;
	s19 =	sadd.s32 $0xC, s17;
	[tilespmem:v13+s21+$0x0] =	vst.idx.msk $0xffff, v12;
	v12 =	vld [tilespmem:s1+$0x70]  }
0x7d: {  	v14 =	vor.u32 s0, v1;
	v16 =	vor.u32 s25, v1;
	s13 =	sand.u32 $0x79, s13;
	s26 =	sadd.s32 $0xE, s17;
	v13 =	vld [tilespmem:s11+$0xFFFFFF80];
	s28 =	sor.u32 s14, s18;
	[tilespmem:v5+s21+$0x0] =	vst.idx.msk $0xffff, v2  }
0x7e: {  	v18 =	vor.u32 s10, v1;
	s0 =	sand.u32 $0x78, s31;
	s14 =	sor.u32 s13, s18;
	s13 =	sadd.s32 $0xD, s17;
	v17 =	vor.u32 s28, v0;
	[tilespmem:v11+s21+$0x0] =	vst.idx.msk $0xffff, v9;
	v9 =	vld [tilespmem:s1+$0x50]  }
0x7f: {  	s10 =	sadd.s32 $0xF, s17;
	s0 =	sor.u32 s0, s18;
	v11 =	vor.u32 s14, v0;
	s1 =	sand.u32 $0x7D, s13;
	v19 =	vld [tilespmem:s11+$0xFFFFFFA0];
	[tilespmem:v10+s21+$0x0] =	vst.idx.msk $0xffff, v7  }
0x80: {  	s10 =	sand.u32 $0x7F, s10;
	s13 =	sand.u32 $0x7C, s19;
	s19 =	sand.u32 $0x7E, s26;
	v7 =	vor.u32 s0, v0;
	v2 =	vld [tilespmem:s11+$0x40];
	[tilespmem:v4+s21+$0x0] =	vst.idx.msk $0xffff, v8  }
0x81: {  	s13 =	sor.u32 s13, s18;
	s1 =	sor.u32 s1, s18;
	s25 =	sor.u32 s19, s18;
	v8 =	vld [tilespmem:s11+$0xFFFFFFE0];
	[tilespmem:v6+s21+$0x0] =	vst.idx.msk $0xffff, v12  }
0x82: {  	p0 =	slt.u32 s31, $0x1F8;
	s17 =	sadd.s32 $0xA, s17;
	s26 =	sor.u32 s10, s18;
	v10 =	vor.u32 s13, v0;
	v21 =	vor.u32 s1, v0;
	v4 =	vor.u32 s1, v1;
	v20 =	vld [tilespmem:s11+$0x0];
	[tilespmem:v14+s21+$0x0] =	vst.idx.msk $0xffff, v3  }
0x83: {  	s10 =	sand.u32 $0x7A, s17;
	v5 =	vor.u32 s25, v0;
	s1 =	smov.u32 s11;
	v6 =	vld [tilespmem:s11+$0x60];
	[tilespmem:v16+s21+$0x0] =	vst.idx.msk $0xffff, v9  }
0x84: {  	s10 =	sor.u32 s10, s18;
	v16 =	vld [tilespmem:s11+$0x20];
	[tilespmem:v18+s21+$0x0] =	vst.idx.msk $0xffff, v15  }
0x85: {  	v15 =	vor.u32 s10, v0;
	[tilespmem:v7+s21+$0x0] =	vst.idx.msk $0xffff, v13;
	v18 =	vld [tilespmem:s11+$0xFFFFFFC0]  }
.Ltmp1:
0x86: {  	v14 =	vor.u32 s26, v0;
	v3 =	vld [tilespmem:s11+$0xFFFFFF90];
	[tilespmem:v17+s21+$0x0] =	vst.idx.msk $0xffff, v8;
	(pc) =	sbr.rel @p0 .LBB2_5-.Ltmp1, $4  }
0x87: {  	v13 =	vor.u32 s28, v1;
	v12 =	vld [tilespmem:s11+$0xFFFFFFF0];
	[tilespmem:v10+s21+$0x0] =	vst.idx.msk $0xffff, v20  }
0x88: {  	[tilespmem:v11+s21+$0x0] =	vst.idx.msk $0xffff, v19;
	v9 =	vld [tilespmem:s11+$0x10]  }
0x89: {  	v11 =	vor.u32 s13, v1;
	v7 =	vld [tilespmem:s11+$0xFFFFFFB0];
	[tilespmem:v21+s21+$0x0] =	vst.idx.msk $0xffff, v16  }
0x8a: {  	s6 =	sadd.s32 $0x40, s6;
	v10 =	vor.u32 s14, v1;
	s11 =	sadd.s32 $0x100, s11;
	[tilespmem:v15+s21+$0x0] =	vst.idx.msk $0xffff, v18;
	v8 =	vld [tilespmem:s1+$0x30]  }
0x8b: {  	_ =	sdelay $0x3  }
0x8c: {  	[tilespmem:v14+s21+$0x0] =	vst.idx.msk $0xffff, v6  }
0x8d: {  	v61 =	vor.u32 s0, v1;
	[tilespmem:v5+s21+$0x0] =	vst.idx.msk $0xffff, v2  }
0x8e: {  	v62 =	vld [tilespmem:s1+$0xFFFFFFD0];
	v63 =	vor.u32 s10, v1;
	[tilespmem:v13+s21+$0x0] =	vst.idx.msk $0xffff, v12  }
0x8f: {  	v59 =	vor.u32 s26, v1;
	v60 =	vld [tilespmem:s1+$0x70];
	[tilespmem:v11+s21+$0x0] =	vst.idx.msk $0xffff, v9  }
0x90: {  	v2 =	vor.u32 s25, v1;
	v5 =	vld [tilespmem:s1+$0x50];
	[tilespmem:v10+s21+$0x0] =	vst.idx.msk $0xffff, v7  }
0x91: {  	s26 =	sadd.s32 s5, s30;
	[tilespmem:v4+s21+$0x0] =	vst.idx.msk $0xffff, v8  }
0x92: {  	s28 =	sshll.u32 s26, $0x9;
	s0 =	sshll.u32 s26, $0xB;
	[tilespmem:v61+s21+$0x0] =	vst.idx.msk $0xffff, v3  }
0x93: {  	s1 =	sand.u32 $0xE00, s28;
	s0 =	sand.u32 $0xFFFC000, s0;
	[tilespmem:v63+s21+$0x0] =	vst.idx.msk $0xffff, v62  }
0x94: {  	s0 =	sor.u32 s1, s0;
	[tilespmem:v59+s21+$0x0] =	vst.idx.msk $0xffff, v60  }
0x95: {  	s29 =	sadd.s32 $0x1, s29;
	s1 =	sadd.s32 s4, s0;
	[tilespmem:v2+s21+$0x0] =	vst.idx.msk $0xffff, v5  }
0x96: {  	[hbm4b:s1+s2] =	stream.linear.scatter [tilespmem:s21], [sflag:$0x4], $0x1000, $0x38;
	[tilespmem:$0x16400] =	vst v63  }
0x97: {  	p0 =	sne.s32 s29, $0x19;
	s30 =	sadd.s32 s0, s7  }
0x98: {  	[hbm4b:s30+s2] =	stream.linear.scatter [tilespmem:s22], [sflag:$0x4], $0x1000, $0x38;
	[tilespmem:$0x16400] =	vst v63  }
.Ltmp2:
0x99: {  	_ = 	snop;
	(pc) =	sbr.rel @p0 .LBB2_2-.Ltmp2, $4  }
0x9a: {  	s31 =	sadd.s32 s0, s8  }
0x9b: {  	[hbm4b:s31+s2] =	stream.linear.scatter [tilespmem:s23], [sflag:$0x4], $0x1000, $0x38;
	[tilespmem:$0x16400] =	vst v63  }
0x9c: {  	s0 =	sadd.s32 s0, s9  }
0x9d: {  	[hbm4b:s0+s2] =	stream.linear.scatter [tilespmem:s24], [sflag:$0x4], $0x1000, $0x38;
	[tilespmem:$0x16400] =	vst v63  }
0x9e: {  	_ =	swait.ge [sflag:s15], $0x4000  }
0x9f: {  	[sflag:s15] =	ssyncset.done $0x0  }
0xa0: {  	s0 =	simm.s32 $0x3;
	[sflag:s15] =	ssyncadd.s32 $0xFFFFC000  }
0xa1: {  	_ =	swait.ge [sflag:s0], $0x1000  }
0xa2: {  	[sflag:s0] =	ssyncset.done $0x0  }
0xa3: {  	[sflag:s0] =	ssyncadd.s32 $0xFFFFF000  }
0xa4: {  	_ =	swait.ge [sflag:s0], $0x1000  }
0xa5: {  	[sflag:s0] =	ssyncset.done $0x0  }
0xa6: {  	[sflag:s0] =	ssyncadd.s32 $0xFFFFF000  }
0xa7: {  	_ =	swait.ge [sflag:s0], $0x1000  }
0xa8: {  	[sflag:s0] =	ssyncset.done $0x0  }
0xa9: {  	[sflag:s0] =	ssyncadd.s32 $0xFFFFF000  }
0xaa: {  	_ =	swait.ge [sflag:s0], $0x1000  }
0xab: {  	[sflag:s0] =	ssyncset.done $0x0  }
0xac: {  	s1 =	simm.s32 $0x4;
	[sflag:s0] =	ssyncadd.s32 $0xFFFFF000  }
0xad: {  	_ =	swait.ge [sflag:s1], $0x1000  }
0xae: {  	[sflag:s1] =	ssyncset.done $0x0  }
0xaf: {  	[sflag:s1] =	ssyncadd.s32 $0xFFFFF000  }
0xb0: {  	_ =	swait.ge [sflag:s1], $0x1000  }
0xb1: {  	[sflag:s1] =	ssyncset.done $0x0  }
0xb2: {  	[sflag:s1] =	ssyncadd.s32 $0xFFFFF000  }
0xb3: {  	_ =	swait.ge [sflag:s1], $0x1000  }
0xb4: {  	[sflag:s1] =	ssyncset.done $0x0  }
0xb5: {  	[sflag:s1] =	ssyncadd.s32 $0xFFFFF000  }
0xb6: {  	_ =	swait.ge [sflag:s1], $0x1000  }
0xb7: {  	s6 =	rddreg [dreg:$0x5]  }
0xb8: {  	s31 =	rddreg [dreg:$0x4];
	s6 =	sadd.s32 $0x1, s6  }
0xb9: {  	p0 =	sne.s32 s6, s31  }
.Ltmp3:
0xba: {  	_ = 	snop;
	(pc) =	sbr.rel @p0 .LBB2_1-.Ltmp3, $3  }
0xbb: {  	_ =	sdelay $0x1  }
0xbc: {  	[sflag:s1] =	ssyncset.done $0x0  }
0xbd: {  	[sflag:s1] =	ssyncadd.s32 $0xFFFFF000  }
0xbe: {  	_ =	sfence.sel $0x180000  }
0xbf: {  	[bflag:$0x0] =	sbarrier.arrive $0xFFFF  }
0xc0: {  	_ =	strace $0x90000047  }
0xc1: {  	s0 =	stileid.u32;
	[bflag:$0x2] =	sbarrier.arrive $0xFFFF  }
0xc2: {  	p0 =	sne.s32 s0, $0x0;
	s0 =	rddreg [dreg:$0x2]  }
0xc3: {  	s0 =	sadd.s32 @!p0 $0x100000, s0  }
0xc4: {  	[sflag:s0] =	ssyncadd.tile.s32 @!p0 $0x1;
	_ =	shalt  }
.Lfunc_end2:
_tile_overlayer_lowered:
.L_overlay_start_2:
0xc5: {  	(tag) =	ssettag $0x2  }
0xc6: {  	s0 =	rddreg [dreg:$0x0];
	s2 =	stileid.u32  }
0xc7: {  	s1 =	rddreg [dreg:$0x1];
	p0 =	sne.s32 s2, $0x0  }
0xc8: {  	s3 =	rddreg [dreg:$0x2];
	[bflag:$0x3] =	sbarrier.arrive $0xFFFF;
	s2 =	simm.s32 @!p0 $0x1C05  }
0xc9: {  	[timem:s3], [sflag:s2] =	dma.local @!p0 [hbm:s0], s1  }
0xca: {  	s0 =	simm.s32 @!p0 $0x5  }
0xcb: {  	_ =	swait.ge @!p0 [sflag:s0], s1  }
0xcc: {  	s1 =	ssub.s32 @!p0 $0x0, s1;
	[sflag:s0] =	ssyncset.done @!p0 $0x0  }
0xcd: {  	[sflag:s0] =	ssyncadd.s32 @!p0 s1  }
0xce: {  	[bflag:$0x3] =	sbarrier.arrive $0xFFFF  }
0xcf: {  	_ =	shalt  }

</sc_bundles>
